<compile_context>
chip_gen: v7x
topology: tpu7x:2x2x1
jax: 0.10.2.dev20260603
libtpu: 0.0.44.dev20260713+nightly
codegen_flags: <defaults>
</compile_context>

<pallas_src>
import jax
import jax.numpy as jnp
from jax import lax
from jax.experimental import pallas as pl
from jax.experimental.pallas import tpu as pltpu
from jax.experimental.pallas import tpu_sc as plsc

N_NODES = 10000
N_EDGES = 320000
FEATS = 128

NC = 2
NS = 16
NW = NC * NS

EPT = N_EDGES // NW
EB = 80
NBATCH = EPT // EB
NPT = 624
NTAIL = N_NODES - NS * NPT
HR = 80


def _sc_body(x_hbm, src_hbm, dst_hbm, z128_hbm, iota_hbm,
             psum_hbm, pdeg_hbm,
             sidx0, sidx1, sidx2, didx0, didx1, didx2,
             rows0, rows1, rows2, hist, iov, acc, dacc,
             sem0, sem1, sem2, isem0, isem1, isem2,
             fsem0, fsem1, fsem2, ssem0, ssem1, ssem2):
    c = lax.axis_index("c")
    s = lax.axis_index("s")
    wid = c * NS + s
    sidx = (sidx0, sidx1, sidx2)
    didx = (didx0, didx1, didx2)
    rows = (rows0, rows1, rows2)
    sem = (sem0, sem1, sem2)
    isem = (isem0, isem1, isem2)
    fsem = (fsem0, fsem1, fsem2)
    ssem = (ssem0, ssem1, ssem2)

    rbase = pl.multiple_of(s * NPT, 8)
    tail = NS * NPT
    pltpu.sync_copy(z128_hbm.at[pl.ds(rbase, NPT)],
                    acc.at[pl.ds(rbase, NPT)])

    @pl.when(s == NS - 1)
    def _zero_tail():
        pltpu.sync_copy(z128_hbm.at[pl.ds(tail, NTAIL)],
                        acc.at[pl.ds(tail, NTAIL)])

    @pl.when(s == 0)
    def _zero_deg():
        pltpu.sync_copy(z128_hbm.at[pl.ds(0, HR)], dacc)

    pltpu.sync_copy(z128_hbm.at[pl.ds(0, HR)], hist)
    pltpu.sync_copy(iota_hbm, iov)

    ebase = pl.multiple_of(wid * EPT, 8)
    plsc.subcore_barrier()

    def fire_idx(k, b):
        off = pl.multiple_of(ebase + k * EB, 8)
        pltpu.async_copy(src_hbm.at[pl.ds(off, EB)], sidx[b], fsem[b])
        pltpu.async_copy(dst_hbm.at[pl.ds(off, EB)], didx[b], isem[b])

    def fire_gather(k, b):
        off = pl.multiple_of(ebase + k * EB, 8)
        pltpu.make_async_copy(src_hbm.at[pl.ds(off, EB)], sidx[b],
                              fsem[b]).wait()
        pltpu.async_copy(x_hbm.at[sidx[b]], rows[b], sem[b])

    def consume(k, b):
        off = pl.multiple_of(ebase + k * EB, 8)
        pltpu.make_async_copy(dst_hbm.at[pl.ds(off, EB)], didx[b],
                              isem[b]).wait()
        pltpu.make_async_copy(x_hbm.at[sidx[b]], rows[b], sem[b]).wait()
        pltpu.async_copy(rows[b], acc.at[didx[b]], ssem[b], add=True)
        for v in range(EB // 16):
            d = didx[b][pl.ds(v * 16, 16)]
            row = lax.shift_right_logical(d, 7)
            col = lax.bitwise_and(d, 127)
            cnt, last = plsc.scan_count(d)
            plsc.addupdate_scatter(hist, [row, col],
                                   cnt.astype(jnp.float32), mask=last)

    def drain_scatter(b):
        pltpu.make_async_copy(rows[b], acc.at[didx[b]], ssem[b]).wait()

    fire_idx(0, 0)
    fire_idx(1, 1)
    fire_gather(0, 0)
    fire_idx(2, 2)
    fire_gather(1, 1)
    consume(0, 0)
    fire_gather(2, 2)
    drain_scatter(0)
    fire_idx(3, 0)
    consume(1, 1)

    def triple(i, carry):
        for p, (bf, bg, bc) in enumerate(((1, 0, 2), (2, 1, 0),
                                          (0, 2, 1))):
            j = 2 + i * 3 + p

            @pl.when(j + 1 < NBATCH)
            def _g(j=j, bg=bg):
                fire_gather(j + 1, bg)

            drain_scatter(bf)

            @pl.when(j + 2 < NBATCH)
            def _f(j=j, bf=bf):
                fire_idx(j + 2, bf)

            consume(j, bc)
        return carry

    lax.fori_loop(0, (NBATCH - 2) // 3, triple, 0)
    drain_scatter((NBATCH - 1) % 3)
    pltpu.sync_copy(hist, dacc.at[iov], add=True)
    plsc.subcore_barrier()

    pltpu.sync_copy(acc.at[pl.ds(rbase, NPT)],
                    psum_hbm.at[c, pl.ds(rbase, NPT)])

    @pl.when(s == NS - 1)
    def _write_tail():
        pltpu.sync_copy(acc.at[pl.ds(tail, NTAIL)],
                        psum_hbm.at[c, pl.ds(tail, NTAIL)])

    @pl.when(s == 0)
    def _write_deg():
        pltpu.sync_copy(dacc, pdeg_hbm.at[c])


def _sc_aggregate(x, src, dst, z128, iota):
    mesh = plsc.VectorSubcoreMesh(core_axis_name="c", subcore_axis_name="s")
    return pl.kernel(
        _sc_body,
        out_type=(
            jax.ShapeDtypeStruct((NC, N_NODES, FEATS), jnp.float32),
            jax.ShapeDtypeStruct((NC, HR, FEATS), jnp.float32),
        ),
        mesh=mesh,
        compiler_params=pltpu.CompilerParams(needs_layout_passes=False),
        scratch_types=(
            [pltpu.VMEM((EB,), jnp.int32)] * 6
            + [pltpu.VMEM((EB, FEATS), jnp.float32)] * 3
            + [
                pltpu.VMEM((HR, FEATS), jnp.float32),
                pltpu.VMEM((HR,), jnp.int32),
                pltpu.VMEM_SHARED((N_NODES, FEATS), jnp.float32),
                pltpu.VMEM_SHARED((HR, FEATS), jnp.float32),
            ]
            + [pltpu.SemaphoreType.DMA] * 12
        ),
    )(x, src, dst, z128, iota)


def _tc_body(p0_ref, p1_ref, d0_ref, d1_ref, w_ref, out_ref):
    ssum = p0_ref[...] + p1_ref[...]
    deg = d0_ref[...] + d1_ref[...]
    deg = jnp.maximum(deg, 1.0)
    agg = ssum / deg
    out_ref[...] = lax.dot_general(
        agg, w_ref[...], (((1,), (1,)), ((), ())),
        preferred_element_type=jnp.float32)


def _tc_finish(p0, p1, d0, d1, W):
    BN = 2000
    grid = (N_NODES // BN,)
    return pl.pallas_call(
        _tc_body,
        grid=grid,
        in_specs=[
            pl.BlockSpec((BN, FEATS), lambda i: (i, 0)),
            pl.BlockSpec((BN, FEATS), lambda i: (i, 0)),
            pl.BlockSpec((BN, 1), lambda i: (i, 0)),
            pl.BlockSpec((BN, 1), lambda i: (i, 0)),
            pl.BlockSpec((FEATS, FEATS), lambda i: (0, 0)),
        ],
        out_specs=pl.BlockSpec((BN, FEATS), lambda i: (i, 0)),
        out_shape=jax.ShapeDtypeStruct((N_NODES, FEATS), jnp.float32),
    )(p0, p1, d0, d1, W)


@jax.jit
def kernel(x, edge_index, W):
    src = edge_index[0].astype(jnp.int32)
    dst = edge_index[1].astype(jnp.int32)
    z128 = jnp.zeros((N_NODES, FEATS), jnp.float32)
    iota = jnp.arange(HR, dtype=jnp.int32)
    psum, pdeg = _sc_aggregate(x, src, dst, z128, iota)
    deg = pdeg.reshape(NC, HR * FEATS)[:, :N_NODES]
    return _tc_finish(psum[0], psum[1], deg[0][:, None], deg[1][:, None], W)

# --- scband reference (transcript-rebuilt; emitter-appended) ---
"""Pipeline reference for scband-gcnlayer-78005196030155 (READ-ONLY COPY).

The authoritative reference and input builder live on the scoring server;
editing this copy changes nothing except your own understanding.
"""

import jax, jax.numpy as jnp
import numpy as np

N_NODES = 10000
N_EDGES = 320000
IN_FEATS = 128
OUT_FEATS = 128


def setup_inputs(seed: int = 0) -> dict:
    key = jax.random.key(seed)
    k1, k2, k3 = jax.random.split(key, 3)
    x = jax.random.normal(k1, (N_NODES, IN_FEATS), dtype=jnp.float32)
    edge_index = jax.random.randint(k2, (2, N_EDGES), 0, N_NODES, dtype=jnp.int64)
    # Linear weight (xavier_normal with tanh gain in original; any normal init is fine for a reference)
    gain = 5.0 / 3.0
    std = gain * np.sqrt(2.0 / (IN_FEATS + OUT_FEATS))
    W = jax.random.normal(k3, (OUT_FEATS, IN_FEATS), dtype=jnp.float32) * std
    return {"x": x, "edge_index": edge_index, "W": W}


def reference(x, edge_index, W):
    # GCNLayer forward (eval mode, dropout=0, no bias/activation/residual/norms):
    #   1) message: copy src node feature 'h' along each edge
    #   2) reduce: mean of incoming messages per destination node
    #   3) apply: linear transform of aggregated feature
    src = edge_index[0]
    dst = edge_index[1]
    m = jnp.take(x, src, axis=0)                      # gather: [E, in_feats]
    summed = jax.ops.segment_sum(m, dst, num_segments=N_NODES)  # scatter-add
    deg = jax.ops.segment_sum(jnp.ones((m.shape[0],), dtype=x.dtype), dst, num_segments=N_NODES)
    deg = jnp.maximum(deg, 1.0)                        # nodes with no in-edges keep 0 features
    agg = summed / deg[:, None]                        # mean reduce
    h = agg @ W.T                                      # NodeApplyModule linear (bias=False)
    return h

if __name__ == "__main__":
    import jax
    _d = setup_inputs()
    print(jax.jit(kernel)(*tuple(_d.values())))

</pallas_src>

<mosaic_0001>
#map = affine_map<(d0, d1) -> (0, 0)>
#map1 = affine_map<(d0, d1) -> (0)>
#map2 = affine_map<(d0, d1) -> (0, 0, 0)>
module attributes {stable_mosaic.version = 14 : i64} {
  func.func @_sc_body(%arg0: i32, %arg1: i32, %arg2: memref<10000x128xf32, #tpu.memory_space<hbm>>, %arg3: memref<320000xi32, #tpu.memory_space<hbm>>, %arg4: memref<320000xi32, #tpu.memory_space<hbm>>, %arg5: memref<10000x128xf32, #tpu.memory_space<hbm>>, %arg6: memref<80xi32, #tpu.memory_space<hbm>>, %arg7: memref<2x10000x128xf32, #tpu.memory_space<hbm>>, %arg8: memref<2x80x128xf32, #tpu.memory_space<hbm>>, %arg9: memref<80xi32, #tpu.memory_space<vmem>>, %arg10: memref<80xi32, #tpu.memory_space<vmem>>, %arg11: memref<80xi32, #tpu.memory_space<vmem>>, %arg12: memref<80xi32, #tpu.memory_space<vmem>>, %arg13: memref<80xi32, #tpu.memory_space<vmem>>, %arg14: memref<80xi32, #tpu.memory_space<vmem>>, %arg15: memref<80x128xf32, #tpu.memory_space<vmem>>, %arg16: memref<80x128xf32, #tpu.memory_space<vmem>>, %arg17: memref<80x128xf32, #tpu.memory_space<vmem>>, %arg18: memref<80x128xf32, #tpu.memory_space<vmem>>, %arg19: memref<80xi32, #tpu.memory_space<vmem>>, %arg20: memref<10000x128xf32, #tpu.memory_space<vmem_shared>>, %arg21: memref<80x128xf32, #tpu.memory_space<vmem_shared>>, %arg22: memref<!tpu.dma_semaphore, #tpu.memory_space<semaphore_mem>>, %arg23: memref<!tpu.dma_semaphore, #tpu.memory_space<semaphore_mem>>, %arg24: memref<!tpu.dma_semaphore, #tpu.memory_space<semaphore_mem>>, %arg25: memref<!tpu.dma_semaphore, #tpu.memory_space<semaphore_mem>>, %arg26: memref<!tpu.dma_semaphore, #tpu.memory_space<semaphore_mem>>, %arg27: memref<!tpu.dma_semaphore, #tpu.memory_space<semaphore_mem>>, %arg28: memref<!tpu.dma_semaphore, #tpu.memory_space<semaphore_mem>>, %arg29: memref<!tpu.dma_semaphore, #tpu.memory_space<semaphore_mem>>, %arg30: memref<!tpu.dma_semaphore, #tpu.memory_space<semaphore_mem>>, %arg31: memref<!tpu.dma_semaphore, #tpu.memory_space<semaphore_mem>>, %arg32: memref<!tpu.dma_semaphore, #tpu.memory_space<semaphore_mem>>, %arg33: memref<!tpu.dma_semaphore, #tpu.memory_space<semaphore_mem>>) attributes {dimension_semantics = [#tpu.dimension_semantics<core_parallel>, #tpu.dimension_semantics<subcore_parallel>], iteration_bounds = array<i64: 2, 16>, scalar_prefetch = 0 : i64, scratch_operands = 25 : i64, tpu.core_type = #tpu.core_type<sc_vector_subcore>, window_params = [{transform_indices = #map}, {transform_indices = #map1}, {transform_indices = #map1}, {transform_indices = #map}, {transform_indices = #map1}, {transform_indices = #map2}, {transform_indices = #map2}]} {
    %mul3A = arith.constant 16 : i32
    %mul3A_0 = arith.muli %arg0, %mul3A : i32
    %add3A = arith.addi %mul3A_0, %arg1 : i32
    %mul3A_1 = arith.constant 624 : i32
    %mul3A_2 = arith.muli %arg1, %mul3A_1 : i32
    %multiple_of3A = tpu.assume_multiple %mul3A_2, 8 : i32
    "tpu.region"() ({
      %run_scoped3A = tpu.sem_alloc : memref<!tpu.dma_semaphore, #tpu.memory_space<semaphore_mem>>
      %dma_start3A_232 = arith.constant 0 : i32
      %dma_start3A_233 = tpu.memref_slice %arg20[%multiple_of3A, %dma_start3A_232] : memref<10000x128xf32, #tpu.memory_space<vmem_shared>> -> memref<624x128xf32, #tpu.memory_space<vmem_shared>>
      %dma_start3A_234 = arith.constant 0 : i32
      %dma_start3A_235 = tpu.memref_slice %arg5[%multiple_of3A, %dma_start3A_234] : memref<10000x128xf32, #tpu.memory_space<hbm>> -> memref<624x128xf32, #tpu.memory_space<hbm>>
      tpu.enqueue_dma source(%dma_start3A_235 : memref<624x128xf32, #tpu.memory_space<hbm>>) target(%dma_start3A_233 : memref<624x128xf32, #tpu.memory_space<vmem_shared>>) target_semaphore(%run_scoped3A : memref<!tpu.dma_semaphore, #tpu.memory_space<semaphore_mem>>)
      %dma_wait3A_236 = arith.constant 0 : i32
      %dma_wait3A_237 = tpu.memref_slice %arg20[%multiple_of3A, %dma_wait3A_236] : memref<10000x128xf32, #tpu.memory_space<vmem_shared>> -> memref<624x128xf32, #tpu.memory_space<vmem_shared>>
      %dma_wait3A_238 = arith.constant 0 : i32
      %dma_wait3A_239 = tpu.memref_slice %arg5[%multiple_of3A, %dma_wait3A_238] : memref<10000x128xf32, #tpu.memory_space<hbm>> -> memref<624x128xf32, #tpu.memory_space<hbm>>
      tpu.wait_dma2 semaphore(%run_scoped3A : memref<!tpu.dma_semaphore, #tpu.memory_space<semaphore_mem>>) src(%dma_wait3A_239 : memref<624x128xf32, #tpu.memory_space<hbm>>) dst(%dma_wait3A_237 : memref<624x128xf32, #tpu.memory_space<vmem_shared>>)
      tpu.yield
    }) : () -> ()
    %eq3A = arith.constant 15 : i32
    %eq3A_3 = arith.cmpi eq, %arg1, %eq3A : i32
    %convert_element_type3A = arith.extui %eq3A_3 : i1 to i32
    %cond3A = arith.constant 0 : i32
    %cond3A_4 = arith.cmpi ne, %convert_element_type3A, %cond3A : i32
    scf.if %cond3A_4 {
      "tpu.region"() ({
        %run_scoped3A = tpu.sem_alloc : memref<!tpu.dma_semaphore, #tpu.memory_space<semaphore_mem>>
        %dma_start3A_232 = arith.constant 9984 : i32
        %dma_start3A_233 = arith.constant 0 : i32
        %dma_start3A_234 = tpu.memref_slice %arg20[%dma_start3A_232, %dma_start3A_233] : memref<10000x128xf32, #tpu.memory_space<vmem_shared>> -> memref<16x128xf32, #tpu.memory_space<vmem_shared>>
        %dma_start3A_235 = arith.constant 9984 : i32
        %dma_start3A_236 = arith.constant 0 : i32
        %dma_start3A_237 = tpu.memref_slice %arg5[%dma_start3A_235, %dma_start3A_236] : memref<10000x128xf32, #tpu.memory_space<hbm>> -> memref<16x128xf32, #tpu.memory_space<hbm>>
        tpu.enqueue_dma source(%dma_start3A_237 : memref<16x128xf32, #tpu.memory_space<hbm>>) target(%dma_start3A_234 : memref<16x128xf32, #tpu.memory_space<vmem_shared>>) target_semaphore(%run_scoped3A : memref<!tpu.dma_semaphore, #tpu.memory_space<semaphore_mem>>)
        %dma_wait3A_238 = arith.constant 9984 : i32
        %dma_wait3A_239 = arith.constant 0 : i32
        %dma_wait3A_240 = tpu.memref_slice %arg20[%dma_wait3A_238, %dma_wait3A_239] : memref<10000x128xf32, #tpu.memory_space<vmem_shared>> -> memref<16x128xf32, #tpu.memory_space<vmem_shared>>
        %dma_wait3A_241 = arith.constant 9984 : i32
        %dma_wait3A_242 = arith.constant 0 : i32
        %dma_wait3A_243 = tpu.memref_slice %arg5[%dma_wait3A_241, %dma_wait3A_242] : memref<10000x128xf32, #tpu.memory_space<hbm>> -> memref<16x128xf32, #tpu.memory_space<hbm>>
        tpu.wait_dma2 semaphore(%run_scoped3A : memref<!tpu.dma_semaphore, #tpu.memory_space<semaphore_mem>>) src(%dma_wait3A_243 : memref<16x128xf32, #tpu.memory_space<hbm>>) dst(%dma_wait3A_240 : memref<16x128xf32, #tpu.memory_space<vmem_shared>>)
        tpu.yield
      }) : () -> ()
    } else {
    }
    %eq3A_5 = arith.constant 0 : i32
    %eq3A_6 = arith.cmpi eq, %arg1, %eq3A_5 : i32
    %convert_element_type3A_7 = arith.extui %eq3A_6 : i1 to i32
    %cond3A_8 = arith.constant 0 : i32
    %cond3A_9 = arith.cmpi ne, %convert_element_type3A_7, %cond3A_8 : i32
    scf.if %cond3A_9 {
      "tpu.region"() ({
        %run_scoped3A = tpu.sem_alloc : memref<!tpu.dma_semaphore, #tpu.memory_space<semaphore_mem>>
        %dma_start3A_232 = arith.constant 0 : i32
        %dma_start3A_233 = arith.constant 0 : i32
        %dma_start3A_234 = tpu.memref_slice %arg5[%dma_start3A_232, %dma_start3A_233] : memref<10000x128xf32, #tpu.memory_space<hbm>> -> memref<80x128xf32, #tpu.memory_space<hbm>>
        tpu.enqueue_dma source(%dma_start3A_234 : memref<80x128xf32, #tpu.memory_space<hbm>>) target(%arg21 : memref<80x128xf32, #tpu.memory_space<vmem_shared>>) target_semaphore(%run_scoped3A : memref<!tpu.dma_semaphore, #tpu.memory_space<semaphore_mem>>)
        %dma_wait3A_235 = arith.constant 0 : i32
        %dma_wait3A_236 = arith.constant 0 : i32
        %dma_wait3A_237 = tpu.memref_slice %arg5[%dma_wait3A_235, %dma_wait3A_236] : memref<10000x128xf32, #tpu.memory_space<hbm>> -> memref<80x128xf32, #tpu.memory_space<hbm>>
        tpu.wait_dma2 semaphore(%run_scoped3A : memref<!tpu.dma_semaphore, #tpu.memory_space<semaphore_mem>>) src(%dma_wait3A_237 : memref<80x128xf32, #tpu.memory_space<hbm>>) dst(%arg21 : memref<80x128xf32, #tpu.memory_space<vmem_shared>>)
        tpu.yield
      }) : () -> ()
    } else {
    }
    "tpu.region"() ({
      %run_scoped3A = tpu.sem_alloc : memref<!tpu.dma_semaphore, #tpu.memory_space<semaphore_mem>>
      %dma_start3A_232 = arith.constant 0 : i32
      %dma_start3A_233 = arith.constant 0 : i32
      %dma_start3A_234 = tpu.memref_slice %arg5[%dma_start3A_232, %dma_start3A_233] : memref<10000x128xf32, #tpu.memory_space<hbm>> -> memref<80x128xf32, #tpu.memory_space<hbm>>
      %dma_start3A_235 = arith.constant 0 : i32
      %dma_start3A_236 = arith.constant 0 : i32
      %dma_start3A_237 = tpu.memref_slice %arg5[%dma_start3A_235, %dma_start3A_236] : memref<10000x128xf32, #tpu.memory_space<hbm>> -> memref<80x128xf32, #tpu.memory_space<hbm>>
      tpu.enqueue_dma source(%dma_start3A_237 : memref<80x128xf32, #tpu.memory_space<hbm>>) target(%arg18 : memref<80x128xf32, #tpu.memory_space<vmem>>) target_semaphore(%run_scoped3A : memref<!tpu.dma_semaphore, #tpu.memory_space<semaphore_mem>>)
      %dma_wait3A_238 = arith.constant 0 : i32
      %dma_wait3A_239 = arith.constant 0 : i32
      %dma_wait3A_240 = tpu.memref_slice %arg5[%dma_wait3A_238, %dma_wait3A_239] : memref<10000x128xf32, #tpu.memory_space<hbm>> -> memref<80x128xf32, #tpu.memory_space<hbm>>
      %dma_wait3A_241 = arith.constant 0 : i32
      %dma_wait3A_242 = arith.constant 0 : i32
      %dma_wait3A_243 = tpu.memref_slice %arg5[%dma_wait3A_241, %dma_wait3A_242] : memref<10000x128xf32, #tpu.memory_space<hbm>> -> memref<80x128xf32, #tpu.memory_space<hbm>>
      tpu.wait_dma2 semaphore(%run_scoped3A : memref<!tpu.dma_semaphore, #tpu.memory_space<semaphore_mem>>) src(%dma_wait3A_243 : memref<80x128xf32, #tpu.memory_space<hbm>>) dst(%arg18 : memref<80x128xf32, #tpu.memory_space<vmem>>)
      tpu.yield
    }) : () -> ()
    "tpu.region"() ({
      %run_scoped3A = tpu.sem_alloc : memref<!tpu.dma_semaphore, #tpu.memory_space<semaphore_mem>>
      tpu.enqueue_dma source(%arg6 : memref<80xi32, #tpu.memory_space<hbm>>) target(%arg19 : memref<80xi32, #tpu.memory_space<vmem>>) target_semaphore(%run_scoped3A : memref<!tpu.dma_semaphore, #tpu.memory_space<semaphore_mem>>)
      tpu.wait_dma2 semaphore(%run_scoped3A : memref<!tpu.dma_semaphore, #tpu.memory_space<semaphore_mem>>) src(%arg6 : memref<80xi32, #tpu.memory_space<hbm>>) dst(%arg19 : memref<80xi32, #tpu.memory_space<vmem>>)
      tpu.yield
    }) : () -> ()
    %mul3A_10 = arith.constant 10000 : i32
    %mul3A_11 = arith.muli %add3A, %mul3A_10 : i32
    %multiple_of3A_12 = tpu.assume_multiple %mul3A_11, 8 : i32
    %barrier3A = arith.constant 0 : index
    tpu.barrier barrier_id(%barrier3A)
    %add3A_13 = arith.constant 0 : i32
    %add3A_14 = arith.addi %multiple_of3A_12, %add3A_13 : i32
    %multiple_of3A_15 = tpu.assume_multiple %add3A_14, 8 : i32
    %dma_start3A = tpu.memref_slice %arg3[%multiple_of3A_15] : memref<320000xi32, #tpu.memory_space<hbm>> -> memref<80xi32, #tpu.memory_space<hbm>>
    %dma_start3A_16 = tpu.memref_slice %arg3[%multiple_of3A_15] : memref<320000xi32, #tpu.memory_space<hbm>> -> memref<80xi32, #tpu.memory_space<hbm>>
    tpu.enqueue_dma source(%dma_start3A_16 : memref<80xi32, #tpu.memory_space<hbm>>) target(%arg9 : memref<80xi32, #tpu.memory_space<vmem>>) target_semaphore(%arg28 : memref<!tpu.dma_semaphore, #tpu.memory_space<semaphore_mem>>)
    %dma_start3A_17 = tpu.memref_slice %arg4[%multiple_of3A_15] : memref<320000xi32, #tpu.memory_space<hbm>> -> memref<80xi32, #tpu.memory_space<hbm>>
    %dma_start3A_18 = tpu.memref_slice %arg4[%multiple_of3A_15] : memref<320000xi32, #tpu.memory_space<hbm>> -> memref<80xi32, #tpu.memory_space<hbm>>
    tpu.enqueue_dma source(%dma_start3A_18 : memref<80xi32, #tpu.memory_space<hbm>>) target(%arg12 : memref<80xi32, #tpu.memory_space<vmem>>) target_semaphore(%arg25 : memref<!tpu.dma_semaphore, #tpu.memory_space<semaphore_mem>>)
    %add3A_19 = arith.constant 80 : i32
    %add3A_20 = arith.addi %multiple_of3A_12, %add3A_19 : i32
    %multiple_of3A_21 = tpu.assume_multiple %add3A_20, 8 : i32
    %dma_start3A_22 = tpu.memref_slice %arg3[%multiple_of3A_21] : memref<320000xi32, #tpu.memory_space<hbm>> -> memref<80xi32, #tpu.memory_space<hbm>>
    %dma_start3A_23 = tpu.memref_slice %arg3[%multiple_of3A_21] : memref<320000xi32, #tpu.memory_space<hbm>> -> memref<80xi32, #tpu.memory_space<hbm>>
    tpu.enqueue_dma source(%dma_start3A_23 : memref<80xi32, #tpu.memory_space<hbm>>) target(%arg10 : memref<80xi32, #tpu.memory_space<vmem>>) target_semaphore(%arg29 : memref<!tpu.dma_semaphore, #tpu.memory_space<semaphore_mem>>)
    %dma_start3A_24 = tpu.memref_slice %arg4[%multiple_of3A_21] : memref<320000xi32, #tpu.memory_space<hbm>> -> memref<80xi32, #tpu.memory_space<hbm>>
    %dma_start3A_25 = tpu.memref_slice %arg4[%multiple_of3A_21] : memref<320000xi32, #tpu.memory_space<hbm>> -> memref<80xi32, #tpu.memory_space<hbm>>
    tpu.enqueue_dma source(%dma_start3A_25 : memref<80xi32, #tpu.memory_space<hbm>>) target(%arg13 : memref<80xi32, #tpu.memory_space<vmem>>) target_semaphore(%arg26 : memref<!tpu.dma_semaphore, #tpu.memory_space<semaphore_mem>>)
    %add3A_26 = arith.constant 0 : i32
    %add3A_27 = arith.addi %multiple_of3A_12, %add3A_26 : i32
    %multiple_of3A_28 = tpu.assume_multiple %add3A_27, 8 : i32
    %dma_wait3A = tpu.memref_slice %arg3[%multiple_of3A_28] : memref<320000xi32, #tpu.memory_space<hbm>> -> memref<80xi32, #tpu.memory_space<hbm>>
    %dma_wait3A_29 = tpu.memref_slice %arg3[%multiple_of3A_28] : memref<320000xi32, #tpu.memory_space<hbm>> -> memref<80xi32, #tpu.memory_space<hbm>>
    tpu.wait_dma2 semaphore(%arg28 : memref<!tpu.dma_semaphore, #tpu.memory_space<semaphore_mem>>) src(%dma_wait3A_29 : memref<80xi32, #tpu.memory_space<hbm>>) dst(%arg9 : memref<80xi32, #tpu.memory_space<vmem>>)
    %dma_start3A_30 = arith.constant 0 : i32
    %dma_start3A_31 = arith.constant 0 : i32
    %dma_start3A_32 = tpu.memref_slice %arg2[%dma_start3A_30, %dma_start3A_31] : memref<10000x128xf32, #tpu.memory_space<hbm>> -> memref<10000x128xf32, #tpu.memory_space<hbm>>
    tpu.enqueue_indirect_dma source(%dma_start3A_32 : memref<10000x128xf32, #tpu.memory_space<hbm>>) target(%arg15 : memref<80x128xf32, #tpu.memory_space<vmem>>) offsets(%arg9 : memref<80xi32, #tpu.memory_space<vmem>>) semaphore(%arg22 : memref<!tpu.dma_semaphore, #tpu.memory_space<semaphore_mem>>)
    %add3A_33 = arith.constant 160 : i32
    %add3A_34 = arith.addi %multiple_of3A_12, %add3A_33 : i32
    %multiple_of3A_35 = tpu.assume_multiple %add3A_34, 8 : i32
    %dma_start3A_36 = tpu.memref_slice %arg3[%multiple_of3A_35] : memref<320000xi32, #tpu.memory_space<hbm>> -> memref<80xi32, #tpu.memory_space<hbm>>
    %dma_start3A_37 = tpu.memref_slice %arg3[%multiple_of3A_35] : memref<320000xi32, #tpu.memory_space<hbm>> -> memref<80xi32, #tpu.memory_space<hbm>>
    tpu.enqueue_dma source(%dma_start3A_37 : memref<80xi32, #tpu.memory_space<hbm>>) target(%arg11 : memref<80xi32, #tpu.memory_space<vmem>>) target_semaphore(%arg30 : memref<!tpu.dma_semaphore, #tpu.memory_space<semaphore_mem>>)
    %dma_start3A_38 = tpu.memref_slice %arg4[%multiple_of3A_35] : memref<320000xi32, #tpu.memory_space<hbm>> -> memref<80xi32, #tpu.memory_space<hbm>>
    %dma_start3A_39 = tpu.memref_slice %arg4[%multiple_of3A_35] : memref<320000xi32, #tpu.memory_space<hbm>> -> memref<80xi32, #tpu.memory_space<hbm>>
    tpu.enqueue_dma source(%dma_start3A_39 : memref<80xi32, #tpu.memory_space<hbm>>) target(%arg14 : memref<80xi32, #tpu.memory_space<vmem>>) target_semaphore(%arg27 : memref<!tpu.dma_semaphore, #tpu.memory_space<semaphore_mem>>)
    %add3A_40 = arith.constant 80 : i32
    %add3A_41 = arith.addi %multiple_of3A_12, %add3A_40 : i32
    %multiple_of3A_42 = tpu.assume_multiple %add3A_41, 8 : i32
    %dma_wait3A_43 = tpu.memref_slice %arg3[%multiple_of3A_42] : memref<320000xi32, #tpu.memory_space<hbm>> -> memref<80xi32, #tpu.memory_space<hbm>>
    %dma_wait3A_44 = tpu.memref_slice %arg3[%multiple_of3A_42] : memref<320000xi32, #tpu.memory_space<hbm>> -> memref<80xi32, #tpu.memory_space<hbm>>
    tpu.wait_dma2 semaphore(%arg29 : memref<!tpu.dma_semaphore, #tpu.memory_space<semaphore_mem>>) src(%dma_wait3A_44 : memref<80xi32, #tpu.memory_space<hbm>>) dst(%arg10 : memref<80xi32, #tpu.memory_space<vmem>>)
    %dma_start3A_45 = arith.constant 0 : i32
    %dma_start3A_46 = arith.constant 0 : i32
    %dma_start3A_47 = tpu.memref_slice %arg2[%dma_start3A_45, %dma_start3A_46] : memref<10000x128xf32, #tpu.memory_space<hbm>> -> memref<10000x128xf32, #tpu.memory_space<hbm>>
    tpu.enqueue_indirect_dma source(%dma_start3A_47 : memref<10000x128xf32, #tpu.memory_space<hbm>>) target(%arg16 : memref<80x128xf32, #tpu.memory_space<vmem>>) offsets(%arg10 : memref<80xi32, #tpu.memory_space<vmem>>) semaphore(%arg23 : memref<!tpu.dma_semaphore, #tpu.memory_space<semaphore_mem>>)
    %add3A_48 = arith.constant 0 : i32
    %add3A_49 = arith.addi %multiple_of3A_12, %add3A_48 : i32
    %multiple_of3A_50 = tpu.assume_multiple %add3A_49, 8 : i32
    %dma_wait3A_51 = tpu.memref_slice %arg4[%multiple_of3A_50] : memref<320000xi32, #tpu.memory_space<hbm>> -> memref<80xi32, #tpu.memory_space<hbm>>
    %dma_wait3A_52 = tpu.memref_slice %arg4[%multiple_of3A_50] : memref<320000xi32, #tpu.memory_space<hbm>> -> memref<80xi32, #tpu.memory_space<hbm>>
    tpu.wait_dma2 semaphore(%arg25 : memref<!tpu.dma_semaphore, #tpu.memory_space<semaphore_mem>>) src(%dma_wait3A_52 : memref<80xi32, #tpu.memory_space<hbm>>) dst(%arg12 : memref<80xi32, #tpu.memory_space<vmem>>)
    %dma_wait3A_53 = arith.constant 0 : i32
    %dma_wait3A_54 = arith.constant 0 : i32
    %dma_wait3A_55 = tpu.memref_slice %arg2[%dma_wait3A_53, %dma_wait3A_54] : memref<10000x128xf32, #tpu.memory_space<hbm>> -> memref<10000x128xf32, #tpu.memory_space<hbm>>
    tpu.wait_indirect_dma semaphore(%arg22 : memref<!tpu.dma_semaphore, #tpu.memory_space<semaphore_mem>>) src(%dma_wait3A_55 : memref<10000x128xf32, #tpu.memory_space<hbm>>) dst(%arg15 : memref<80x128xf32, #tpu.memory_space<vmem>>)
    %dma_start3A_56 = arith.constant 0 : i32
    %dma_start3A_57 = arith.constant 0 : i32
    %dma_start3A_58 = tpu.memref_slice %arg20[%dma_start3A_56, %dma_start3A_57] : memref<10000x128xf32, #tpu.memory_space<vmem_shared>> -> memref<10000x128xf32, #tpu.memory_space<vmem_shared>>
    tpu.enqueue_indirect_dma source(%arg15 : memref<80x128xf32, #tpu.memory_space<vmem>>) target(%dma_start3A_58 : memref<10000x128xf32, #tpu.memory_space<vmem_shared>>) offsets(%arg12 : memref<80xi32, #tpu.memory_space<vmem>>) semaphore(%arg31 : memref<!tpu.dma_semaphore, #tpu.memory_space<semaphore_mem>>) {add = true}
    %get3A = arith.constant 0 : index
    %get3A_59 = tpu.vector_load %arg12[%get3A] {strides = array<i32>} : memref<80xi32, #tpu.memory_space<vmem>>, vector<16xi32>,
    %shift_right_logical3A = arith.constant 7 : i32
    %shift_right_logical3A_60 = vector.broadcast %shift_right_logical3A : i32 to vector<16xi32>
    %shift_right_logical3A_61 = arith.shrui %get3A_59, %shift_right_logical3A_60 : vector<16xi32>
    %and3A = arith.constant 127 : i32
    %and3A_62 = vector.broadcast %and3A : i32 to vector<16xi32>
    %and3A_63 = arith.andi %get3A_59, %and3A_62 : vector<16xi32>
    %broadcast_in_dim3A = arith.constant true
    %broadcast_in_dim3A_64 = vector.broadcast %broadcast_in_dim3A : i1 to vector<16xi1>
    %unique3A, %unique3A_65 = tpu.scan_count mask(%broadcast_in_dim3A_64 : vector<16xi1>) value(%get3A_59 : vector<16xi32>) : vector<16xi1>, vector<16xi32>
    %convert_element_type3A_66 = arith.sitofp %unique3A_65 : vector<16xi32> to vector<16xf32>
    tpu.vector_store_idx %arg18[%shift_right_logical3A_61, %and3A_63], %convert_element_type3A_66 masked %unique3A {add = true} : memref<80x128xf32, #tpu.memory_space<vmem>>[vector<16xi32>, vector<16xi32>], vector<16xf32>, vector<16xi1>
    %get3A_67 = arith.constant 16 : index
    %get3A_68 = tpu.vector_load %arg12[%get3A_67] {strides = array<i32>} : memref<80xi32, #tpu.memory_space<vmem>>, vector<16xi32>,
    %shift_right_logical3A_69 = arith.constant 7 : i32
    %shift_right_logical3A_70 = vector.broadcast %shift_right_logical3A_69 : i32 to vector<16xi32>
    %shift_right_logical3A_71 = arith.shrui %get3A_68, %shift_right_logical3A_70 : vector<16xi32>
    %and3A_72 = arith.constant 127 : i32
    %and3A_73 = vector.broadcast %and3A_72 : i32 to vector<16xi32>
    %and3A_74 = arith.andi %get3A_68, %and3A_73 : vector<16xi32>
    %broadcast_in_dim3A_75 = arith.constant true
    %broadcast_in_dim3A_76 = vector.broadcast %broadcast_in_dim3A_75 : i1 to vector<16xi1>
    %unique3A_77, %unique3A_78 = tpu.scan_count mask(%broadcast_in_dim3A_76 : vector<16xi1>) value(%get3A_68 : vector<16xi32>) : vector<16xi1>, vector<16xi32>
    %convert_element_type3A_79 = arith.sitofp %unique3A_78 : vector<16xi32> to vector<16xf32>
    tpu.vector_store_idx %arg18[%shift_right_logical3A_71, %and3A_74], %convert_element_type3A_79 masked %unique3A_77 {add = true} : memref<80x128xf32, #tpu.memory_space<vmem>>[vector<16xi32>, vector<16xi32>], vector<16xf32>, vector<16xi1>
    %get3A_80 = arith.constant 32 : index
    %get3A_81 = tpu.vector_load %arg12[%get3A_80] {strides = array<i32>} : memref<80xi32, #tpu.memory_space<vmem>>, vector<16xi32>,
    %shift_right_logical3A_82 = arith.constant 7 : i32
    %shift_right_logical3A_83 = vector.broadcast %shift_right_logical3A_82 : i32 to vector<16xi32>
    %shift_right_logical3A_84 = arith.shrui %get3A_81, %shift_right_logical3A_83 : vector<16xi32>
    %and3A_85 = arith.constant 127 : i32
    %and3A_86 = vector.broadcast %and3A_85 : i32 to vector<16xi32>
    %and3A_87 = arith.andi %get3A_81, %and3A_86 : vector<16xi32>
    %broadcast_in_dim3A_88 = arith.constant true
    %broadcast_in_dim3A_89 = vector.broadcast %broadcast_in_dim3A_88 : i1 to vector<16xi1>
    %unique3A_90, %unique3A_91 = tpu.scan_count mask(%broadcast_in_dim3A_89 : vector<16xi1>) value(%get3A_81 : vector<16xi32>) : vector<16xi1>, vector<16xi32>
    %convert_element_type3A_92 = arith.sitofp %unique3A_91 : vector<16xi32> to vector<16xf32>
    tpu.vector_store_idx %arg18[%shift_right_logical3A_84, %and3A_87], %convert_element_type3A_92 masked %unique3A_90 {add = true} : memref<80x128xf32, #tpu.memory_space<vmem>>[vector<16xi32>, vector<16xi32>], vector<16xf32>, vector<16xi1>
    %get3A_93 = arith.constant 48 : index
    %get3A_94 = tpu.vector_load %arg12[%get3A_93] {strides = array<i32>} : memref<80xi32, #tpu.memory_space<vmem>>, vector<16xi32>,
    %shift_right_logical3A_95 = arith.constant 7 : i32
    %shift_right_logical3A_96 = vector.broadcast %shift_right_logical3A_95 : i32 to vector<16xi32>
    %shift_right_logical3A_97 = arith.shrui %get3A_94, %shift_right_logical3A_96 : vector<16xi32>
    %and3A_98 = arith.constant 127 : i32
    %and3A_99 = vector.broadcast %and3A_98 : i32 to vector<16xi32>
    %and3A_100 = arith.andi %get3A_94, %and3A_99 : vector<16xi32>
    %broadcast_in_dim3A_101 = arith.constant true
    %broadcast_in_dim3A_102 = vector.broadcast %broadcast_in_dim3A_101 : i1 to vector<16xi1>
    %unique3A_103, %unique3A_104 = tpu.scan_count mask(%broadcast_in_dim3A_102 : vector<16xi1>) value(%get3A_94 : vector<16xi32>) : vector<16xi1>, vector<16xi32>
    %convert_element_type3A_105 = arith.sitofp %unique3A_104 : vector<16xi32> to vector<16xf32>
    tpu.vector_store_idx %arg18[%shift_right_logical3A_97, %and3A_100], %convert_element_type3A_105 masked %unique3A_103 {add = true} : memref<80x128xf32, #tpu.memory_space<vmem>>[vector<16xi32>, vector<16xi32>], vector<16xf32>, vector<16xi1>
    %get3A_106 = arith.constant 64 : index
    %get3A_107 = tpu.vector_load %arg12[%get3A_106] {strides = array<i32>} : memref<80xi32, #tpu.memory_space<vmem>>, vector<16xi32>,
    %shift_right_logical3A_108 = arith.constant 7 : i32
    %shift_right_logical3A_109 = vector.broadcast %shift_right_logical3A_108 : i32 to vector<16xi32>
    %shift_right_logical3A_110 = arith.shrui %get3A_107, %shift_right_logical3A_109 : vector<16xi32>
    %and3A_111 = arith.constant 127 : i32
    %and3A_112 = vector.broadcast %and3A_111 : i32 to vector<16xi32>
    %and3A_113 = arith.andi %get3A_107, %and3A_112 : vector<16xi32>
    %broadcast_in_dim3A_114 = arith.constant true
    %broadcast_in_dim3A_115 = vector.broadcast %broadcast_in_dim3A_114 : i1 to vector<16xi1>
    %unique3A_116, %unique3A_117 = tpu.scan_count mask(%broadcast_in_dim3A_115 : vector<16xi1>) value(%get3A_107 : vector<16xi32>) : vector<16xi1>, vector<16xi32>
    %convert_element_type3A_118 = arith.sitofp %unique3A_117 : vector<16xi32> to vector<16xf32>
    tpu.vector_store_idx %arg18[%shift_right_logical3A_110, %and3A_113], %convert_element_type3A_118 masked %unique3A_116 {add = true} : memref<80x128xf32, #tpu.memory_space<vmem>>[vector<16xi32>, vector<16xi32>], vector<16xf32>, vector<16xi1>
    %add3A_119 = arith.constant 160 : i32
    %add3A_120 = arith.addi %multiple_of3A_12, %add3A_119 : i32
    %multiple_of3A_121 = tpu.assume_multiple %add3A_120, 8 : i32
    %dma_wait3A_122 = tpu.memref_slice %arg3[%multiple_of3A_121] : memref<320000xi32, #tpu.memory_space<hbm>> -> memref<80xi32, #tpu.memory_space<hbm>>
    %dma_wait3A_123 = tpu.memref_slice %arg3[%multiple_of3A_121] : memref<320000xi32, #tpu.memory_space<hbm>> -> memref<80xi32, #tpu.memory_space<hbm>>
    tpu.wait_dma2 semaphore(%arg30 : memref<!tpu.dma_semaphore, #tpu.memory_space<semaphore_mem>>) src(%dma_wait3A_123 : memref<80xi32, #tpu.memory_space<hbm>>) dst(%arg11 : memref<80xi32, #tpu.memory_space<vmem>>)
    %dma_start3A_124 = arith.constant 0 : i32
    %dma_start3A_125 = arith.constant 0 : i32
    %dma_start3A_126 = tpu.memref_slice %arg2[%dma_start3A_124, %dma_start3A_125] : memref<10000x128xf32, #tpu.memory_space<hbm>> -> memref<10000x128xf32, #tpu.memory_space<hbm>>
    tpu.enqueue_indirect_dma source(%dma_start3A_126 : memref<10000x128xf32, #tpu.memory_space<hbm>>) target(%arg17 : memref<80x128xf32, #tpu.memory_space<vmem>>) offsets(%arg11 : memref<80xi32, #tpu.memory_space<vmem>>) semaphore(%arg24 : memref<!tpu.dma_semaphore, #tpu.memory_space<semaphore_mem>>)
    %dma_wait3A_127 = arith.constant 0 : i32
    %dma_wait3A_128 = arith.constant 0 : i32
    %dma_wait3A_129 = tpu.memref_slice %arg20[%dma_wait3A_127, %dma_wait3A_128] : memref<10000x128xf32, #tpu.memory_space<vmem_shared>> -> memref<10000x128xf32, #tpu.memory_space<vmem_shared>>
    tpu.wait_indirect_dma semaphore(%arg31 : memref<!tpu.dma_semaphore, #tpu.memory_space<semaphore_mem>>) src(%arg15 : memref<80x128xf32, #tpu.memory_space<vmem>>) dst(%dma_wait3A_129 : memref<10000x128xf32, #tpu.memory_space<vmem_shared>>)
    %add3A_130 = arith.constant 240 : i32
    %add3A_131 = arith.addi %multiple_of3A_12, %add3A_130 : i32
    %multiple_of3A_132 = tpu.assume_multiple %add3A_131, 8 : i32
    %dma_start3A_133 = tpu.memref_slice %arg3[%multiple_of3A_132] : memref<320000xi32, #tpu.memory_space<hbm>> -> memref<80xi32, #tpu.memory_space<hbm>>
    %dma_start3A_134 = tpu.memref_slice %arg3[%multiple_of3A_132] : memref<320000xi32, #tpu.memory_space<hbm>> -> memref<80xi32, #tpu.memory_space<hbm>>
    tpu.enqueue_dma source(%dma_start3A_134 : memref<80xi32, #tpu.memory_space<hbm>>) target(%arg9 : memref<80xi32, #tpu.memory_space<vmem>>) target_semaphore(%arg28 : memref<!tpu.dma_semaphore, #tpu.memory_space<semaphore_mem>>)
    %dma_start3A_135 = tpu.memref_slice %arg4[%multiple_of3A_132] : memref<320000xi32, #tpu.memory_space<hbm>> -> memref<80xi32, #tpu.memory_space<hbm>>
    %dma_start3A_136 = tpu.memref_slice %arg4[%multiple_of3A_132] : memref<320000xi32, #tpu.memory_space<hbm>> -> memref<80xi32, #tpu.memory_space<hbm>>
    tpu.enqueue_dma source(%dma_start3A_136 : memref<80xi32, #tpu.memory_space<hbm>>) target(%arg12 : memref<80xi32, #tpu.memory_space<vmem>>) target_semaphore(%arg25 : memref<!tpu.dma_semaphore, #tpu.memory_space<semaphore_mem>>)
    %add3A_137 = arith.constant 80 : i32
    %add3A_138 = arith.addi %multiple_of3A_12, %add3A_137 : i32
    %multiple_of3A_139 = tpu.assume_multiple %add3A_138, 8 : i32
    %dma_wait3A_140 = tpu.memref_slice %arg4[%multiple_of3A_139] : memref<320000xi32, #tpu.memory_space<hbm>> -> memref<80xi32, #tpu.memory_space<hbm>>
    %dma_wait3A_141 = tpu.memref_slice %arg4[%multiple_of3A_139] : memref<320000xi32, #tpu.memory_space<hbm>> -> memref<80xi32, #tpu.memory_space<hbm>>
    tpu.wait_dma2 semaphore(%arg26 : memref<!tpu.dma_semaphore, #tpu.memory_space<semaphore_mem>>) src(%dma_wait3A_141 : memref<80xi32, #tpu.memory_space<hbm>>) dst(%arg13 : memref<80xi32, #tpu.memory_space<vmem>>)
    %dma_wait3A_142 = arith.constant 0 : i32
    %dma_wait3A_143 = arith.constant 0 : i32
    %dma_wait3A_144 = tpu.memref_slice %arg2[%dma_wait3A_142, %dma_wait3A_143] : memref<10000x128xf32, #tpu.memory_space<hbm>> -> memref<10000x128xf32, #tpu.memory_space<hbm>>
    tpu.wait_indirect_dma semaphore(%arg23 : memref<!tpu.dma_semaphore, #tpu.memory_space<semaphore_mem>>) src(%dma_wait3A_144 : memref<10000x128xf32, #tpu.memory_space<hbm>>) dst(%arg16 : memref<80x128xf32, #tpu.memory_space<vmem>>)
    %dma_start3A_145 = arith.constant 0 : i32
    %dma_start3A_146 = arith.constant 0 : i32
    %dma_start3A_147 = tpu.memref_slice %arg20[%dma_start3A_145, %dma_start3A_146] : memref<10000x128xf32, #tpu.memory_space<vmem_shared>> -> memref<10000x128xf32, #tpu.memory_space<vmem_shared>>
    tpu.enqueue_indirect_dma source(%arg16 : memref<80x128xf32, #tpu.memory_space<vmem>>) target(%dma_start3A_147 : memref<10000x128xf32, #tpu.memory_space<vmem_shared>>) offsets(%arg13 : memref<80xi32, #tpu.memory_space<vmem>>) semaphore(%arg32 : memref<!tpu.dma_semaphore, #tpu.memory_space<semaphore_mem>>) {add = true}
    %get3A_148 = arith.constant 0 : index
    %get3A_149 = tpu.vector_load %arg13[%get3A_148] {strides = array<i32>} : memref<80xi32, #tpu.memory_space<vmem>>, vector<16xi32>,
    %shift_right_logical3A_150 = arith.constant 7 : i32
    %shift_right_logical3A_151 = vector.broadcast %shift_right_logical3A_150 : i32 to vector<16xi32>
    %shift_right_logical3A_152 = arith.shrui %get3A_149, %shift_right_logical3A_151 : vector<16xi32>
    %and3A_153 = arith.constant 127 : i32
    %and3A_154 = vector.broadcast %and3A_153 : i32 to vector<16xi32>
    %and3A_155 = arith.andi %get3A_149, %and3A_154 : vector<16xi32>
    %broadcast_in_dim3A_156 = arith.constant true
    %broadcast_in_dim3A_157 = vector.broadcast %broadcast_in_dim3A_156 : i1 to vector<16xi1>
    %unique3A_158, %unique3A_159 = tpu.scan_count mask(%broadcast_in_dim3A_157 : vector<16xi1>) value(%get3A_149 : vector<16xi32>) : vector<16xi1>, vector<16xi32>
    %convert_element_type3A_160 = arith.sitofp %unique3A_159 : vector<16xi32> to vector<16xf32>
    tpu.vector_store_idx %arg18[%shift_right_logical3A_152, %and3A_155], %convert_element_type3A_160 masked %unique3A_158 {add = true} : memref<80x128xf32, #tpu.memory_space<vmem>>[vector<16xi32>, vector<16xi32>], vector<16xf32>, vector<16xi1>
    %get3A_161 = arith.constant 16 : index
    %get3A_162 = tpu.vector_load %arg13[%get3A_161] {strides = array<i32>} : memref<80xi32, #tpu.memory_space<vmem>>, vector<16xi32>,
    %shift_right_logical3A_163 = arith.constant 7 : i32
    %shift_right_logical3A_164 = vector.broadcast %shift_right_logical3A_163 : i32 to vector<16xi32>
    %shift_right_logical3A_165 = arith.shrui %get3A_162, %shift_right_logical3A_164 : vector<16xi32>
    %and3A_166 = arith.constant 127 : i32
    %and3A_167 = vector.broadcast %and3A_166 : i32 to vector<16xi32>
    %and3A_168 = arith.andi %get3A_162, %and3A_167 : vector<16xi32>
    %broadcast_in_dim3A_169 = arith.constant true
    %broadcast_in_dim3A_170 = vector.broadcast %broadcast_in_dim3A_169 : i1 to vector<16xi1>
    %unique3A_171, %unique3A_172 = tpu.scan_count mask(%broadcast_in_dim3A_170 : vector<16xi1>) value(%get3A_162 : vector<16xi32>) : vector<16xi1>, vector<16xi32>
    %convert_element_type3A_173 = arith.sitofp %unique3A_172 : vector<16xi32> to vector<16xf32>
    tpu.vector_store_idx %arg18[%shift_right_logical3A_165, %and3A_168], %convert_element_type3A_173 masked %unique3A_171 {add = true} : memref<80x128xf32, #tpu.memory_space<vmem>>[vector<16xi32>, vector<16xi32>], vector<16xf32>, vector<16xi1>
    %get3A_174 = arith.constant 32 : index
    %get3A_175 = tpu.vector_load %arg13[%get3A_174] {strides = array<i32>} : memref<80xi32, #tpu.memory_space<vmem>>, vector<16xi32>,
    %shift_right_logical3A_176 = arith.constant 7 : i32
    %shift_right_logical3A_177 = vector.broadcast %shift_right_logical3A_176 : i32 to vector<16xi32>
    %shift_right_logical3A_178 = arith.shrui %get3A_175, %shift_right_logical3A_177 : vector<16xi32>
    %and3A_179 = arith.constant 127 : i32
    %and3A_180 = vector.broadcast %and3A_179 : i32 to vector<16xi32>
    %and3A_181 = arith.andi %get3A_175, %and3A_180 : vector<16xi32>
    %broadcast_in_dim3A_182 = arith.constant true
    %broadcast_in_dim3A_183 = vector.broadcast %broadcast_in_dim3A_182 : i1 to vector<16xi1>
    %unique3A_184, %unique3A_185 = tpu.scan_count mask(%broadcast_in_dim3A_183 : vector<16xi1>) value(%get3A_175 : vector<16xi32>) : vector<16xi1>, vector<16xi32>
    %convert_element_type3A_186 = arith.sitofp %unique3A_185 : vector<16xi32> to vector<16xf32>
    tpu.vector_store_idx %arg18[%shift_right_logical3A_178, %and3A_181], %convert_element_type3A_186 masked %unique3A_184 {add = true} : memref<80x128xf32, #tpu.memory_space<vmem>>[vector<16xi32>, vector<16xi32>], vector<16xf32>, vector<16xi1>
    %get3A_187 = arith.constant 48 : index
    %get3A_188 = tpu.vector_load %arg13[%get3A_187] {strides = array<i32>} : memref<80xi32, #tpu.memory_space<vmem>>, vector<16xi32>,
    %shift_right_logical3A_189 = arith.constant 7 : i32
    %shift_right_logical3A_190 = vector.broadcast %shift_right_logical3A_189 : i32 to vector<16xi32>
    %shift_right_logical3A_191 = arith.shrui %get3A_188, %shift_right_logical3A_190 : vector<16xi32>
    %and3A_192 = arith.constant 127 : i32
    %and3A_193 = vector.broadcast %and3A_192 : i32 to vector<16xi32>
    %and3A_194 = arith.andi %get3A_188, %and3A_193 : vector<16xi32>
    %broadcast_in_dim3A_195 = arith.constant true
    %broadcast_in_dim3A_196 = vector.broadcast %broadcast_in_dim3A_195 : i1 to vector<16xi1>
    %unique3A_197, %unique3A_198 = tpu.scan_count mask(%broadcast_in_dim3A_196 : vector<16xi1>) value(%get3A_188 : vector<16xi32>) : vector<16xi1>, vector<16xi32>
    %convert_element_type3A_199 = arith.sitofp %unique3A_198 : vector<16xi32> to vector<16xf32>
    tpu.vector_store_idx %arg18[%shift_right_logical3A_191, %and3A_194], %convert_element_type3A_199 masked %unique3A_197 {add = true} : memref<80x128xf32, #tpu.memory_space<vmem>>[vector<16xi32>, vector<16xi32>], vector<16xf32>, vector<16xi1>
    %get3A_200 = arith.constant 64 : index
    %get3A_201 = tpu.vector_load %arg13[%get3A_200] {strides = array<i32>} : memref<80xi32, #tpu.memory_space<vmem>>, vector<16xi32>,
    %shift_right_logical3A_202 = arith.constant 7 : i32
    %shift_right_logical3A_203 = vector.broadcast %shift_right_logical3A_202 : i32 to vector<16xi32>
    %shift_right_logical3A_204 = arith.shrui %get3A_201, %shift_right_logical3A_203 : vector<16xi32>
    %and3A_205 = arith.constant 127 : i32
    %and3A_206 = vector.broadcast %and3A_205 : i32 to vector<16xi32>
    %and3A_207 = arith.andi %get3A_201, %and3A_206 : vector<16xi32>
    %broadcast_in_dim3A_208 = arith.constant true
    %broadcast_in_dim3A_209 = vector.broadcast %broadcast_in_dim3A_208 : i1 to vector<16xi1>
    %unique3A_210, %unique3A_211 = tpu.scan_count mask(%broadcast_in_dim3A_209 : vector<16xi1>) value(%get3A_201 : vector<16xi32>) : vector<16xi1>, vector<16xi32>
    %convert_element_type3A_212 = arith.sitofp %unique3A_211 : vector<16xi32> to vector<16xf32>
    tpu.vector_store_idx %arg18[%shift_right_logical3A_204, %and3A_207], %convert_element_type3A_212 masked %unique3A_210 {add = true} : memref<80x128xf32, #tpu.memory_space<vmem>>[vector<16xi32>, vector<16xi32>], vector<16xf32>, vector<16xi1>
    %scan3A = arith.constant 0 : i32
    %scan3A_213 = arith.constant 0 : i32
    %scan3A_214 = arith.constant 41 : i32
    %scan3A_215 = arith.addi %scan3A_213, %scan3A_214 : i32
    %scan3A_216 = arith.constant 1 : i32
    scf.for %scan3A_232 = %scan3A_213 to %scan3A_215 step %scan3A_216  : i32 {
      %mul3A_233 = arith.constant 3 : i32
      %mul3A_234 = arith.muli %scan3A_232, %mul3A_233 : i32
      %add3A_235 = arith.constant 2 : i32
      %add3A_236 = arith.addi %add3A_235, %mul3A_234 : i32
      %add3A_237 = arith.constant 0 : i32
      %add3A_238 = arith.addi %add3A_236, %add3A_237 : i32
      %add3A_239 = arith.constant 1 : i32
      %add3A_240 = arith.addi %add3A_238, %add3A_239 : i32
      %lt3A = arith.constant 125 : i32
      %lt3A_241 = arith.cmpi slt, %add3A_240, %lt3A : i32
      %convert_element_type3A_242 = arith.extui %lt3A_241 : i1 to i32
      %cond3A_243 = arith.constant 0 : i32
      %cond3A_244 = arith.cmpi ne, %convert_element_type3A_242, %cond3A_243 : i32
      scf.if %cond3A_244 {
        %add3A_532 = arith.constant 1 : i32
        %add3A_533 = arith.addi %add3A_238, %add3A_532 : i32
        %mul3A_534 = arith.constant 80 : i32
        %mul3A_535 = arith.muli %add3A_533, %mul3A_534 : i32
        %add3A_536 = arith.addi %multiple_of3A_12, %mul3A_535 : i32
        %multiple_of3A_537 = tpu.assume_multiple %add3A_536, 8 : i32
        %dma_wait3A_538 = tpu.memref_slice %arg3[%multiple_of3A_537] : memref<320000xi32, #tpu.memory_space<hbm>> -> memref<80xi32, #tpu.memory_space<hbm>>
        %dma_wait3A_539 = tpu.memref_slice %arg3[%multiple_of3A_537] : memref<320000xi32, #tpu.memory_space<hbm>> -> memref<80xi32, #tpu.memory_space<hbm>>
        tpu.wait_dma2 semaphore(%arg28 : memref<!tpu.dma_semaphore, #tpu.memory_space<semaphore_mem>>) src(%dma_wait3A_539 : memref<80xi32, #tpu.memory_space<hbm>>) dst(%arg9 : memref<80xi32, #tpu.memory_space<vmem>>)
        %dma_start3A_540 = arith.constant 0 : i32
        %dma_start3A_541 = arith.constant 0 : i32
        %dma_start3A_542 = tpu.memref_slice %arg2[%dma_start3A_540, %dma_start3A_541] : memref<10000x128xf32, #tpu.memory_space<hbm>> -> memref<10000x128xf32, #tpu.memory_space<hbm>>
        tpu.enqueue_indirect_dma source(%dma_start3A_542 : memref<10000x128xf32, #tpu.memory_space<hbm>>) target(%arg15 : memref<80x128xf32, #tpu.memory_space<vmem>>) offsets(%arg9 : memref<80xi32, #tpu.memory_space<vmem>>) semaphore(%arg22 : memref<!tpu.dma_semaphore, #tpu.memory_space<semaphore_mem>>)
      } else {
      }
      %dma_wait3A_245 = arith.constant 0 : i32
      %dma_wait3A_246 = arith.constant 0 : i32
      %dma_wait3A_247 = tpu.memref_slice %arg20[%dma_wait3A_245, %dma_wait3A_246] : memref<10000x128xf32, #tpu.memory_space<vmem_shared>> -> memref<10000x128xf32, #tpu.memory_space<vmem_shared>>
      tpu.wait_indirect_dma semaphore(%arg32 : memref<!tpu.dma_semaphore, #tpu.memory_space<semaphore_mem>>) src(%arg16 : memref<80x128xf32, #tpu.memory_space<vmem>>) dst(%dma_wait3A_247 : memref<10000x128xf32, #tpu.memory_space<vmem_shared>>)
      %add3A_248 = arith.constant 2 : i32
      %add3A_249 = arith.addi %add3A_238, %add3A_248 : i32
      %lt3A_250 = arith.constant 125 : i32
      %lt3A_251 = arith.cmpi slt, %add3A_249, %lt3A_250 : i32
      %convert_element_type3A_252 = arith.extui %lt3A_251 : i1 to i32
      %cond3A_253 = arith.constant 0 : i32
      %cond3A_254 = arith.cmpi ne, %convert_element_type3A_252, %cond3A_253 : i32
      scf.if %cond3A_254 {
        %add3A_532 = arith.constant 2 : i32
        %add3A_533 = arith.addi %add3A_238, %add3A_532 : i32
        %mul3A_534 = arith.constant 80 : i32
        %mul3A_535 = arith.muli %add3A_533, %mul3A_534 : i32
        %add3A_536 = arith.addi %multiple_of3A_12, %mul3A_535 : i32
        %multiple_of3A_537 = tpu.assume_multiple %add3A_536, 8 : i32
        %dma_start3A_538 = tpu.memref_slice %arg3[%multiple_of3A_537] : memref<320000xi32, #tpu.memory_space<hbm>> -> memref<80xi32, #tpu.memory_space<hbm>>
        %dma_start3A_539 = tpu.memref_slice %arg3[%multiple_of3A_537] : memref<320000xi32, #tpu.memory_space<hbm>> -> memref<80xi32, #tpu.memory_space<hbm>>
        tpu.enqueue_dma source(%dma_start3A_539 : memref<80xi32, #tpu.memory_space<hbm>>) target(%arg10 : memref<80xi32, #tpu.memory_space<vmem>>) target_semaphore(%arg29 : memref<!tpu.dma_semaphore, #tpu.memory_space<semaphore_mem>>)
        %dma_start3A_540 = tpu.memref_slice %arg4[%multiple_of3A_537] : memref<320000xi32, #tpu.memory_space<hbm>> -> memref<80xi32, #tpu.memory_space<hbm>>
        %dma_start3A_541 = tpu.memref_slice %arg4[%multiple_of3A_537] : memref<320000xi32, #tpu.memory_space<hbm>> -> memref<80xi32, #tpu.memory_space<hbm>>
        tpu.enqueue_dma source(%dma_start3A_541 : memref<80xi32, #tpu.memory_space<hbm>>) target(%arg13 : memref<80xi32, #tpu.memory_space<vmem>>) target_semaphore(%arg26 : memref<!tpu.dma_semaphore, #tpu.memory_space<semaphore_mem>>)
      } else {
      }
      %mul3A_255 = arith.constant 80 : i32
      %mul3A_256 = arith.muli %add3A_238, %mul3A_255 : i32
      %add3A_257 = arith.addi %multiple_of3A_12, %mul3A_256 : i32
      %multiple_of3A_258 = tpu.assume_multiple %add3A_257, 8 : i32
      %dma_wait3A_259 = tpu.memref_slice %arg4[%multiple_of3A_258] : memref<320000xi32, #tpu.memory_space<hbm>> -> memref<80xi32, #tpu.memory_space<hbm>>
      %dma_wait3A_260 = tpu.memref_slice %arg4[%multiple_of3A_258] : memref<320000xi32, #tpu.memory_space<hbm>> -> memref<80xi32, #tpu.memory_space<hbm>>
      tpu.wait_dma2 semaphore(%arg27 : memref<!tpu.dma_semaphore, #tpu.memory_space<semaphore_mem>>) src(%dma_wait3A_260 : memref<80xi32, #tpu.memory_space<hbm>>) dst(%arg14 : memref<80xi32, #tpu.memory_space<vmem>>)
      %dma_wait3A_261 = arith.constant 0 : i32
      %dma_wait3A_262 = arith.constant 0 : i32
      %dma_wait3A_263 = tpu.memref_slice %arg2[%dma_wait3A_261, %dma_wait3A_262] : memref<10000x128xf32, #tpu.memory_space<hbm>> -> memref<10000x128xf32, #tpu.memory_space<hbm>>
      tpu.wait_indirect_dma semaphore(%arg24 : memref<!tpu.dma_semaphore, #tpu.memory_space<semaphore_mem>>) src(%dma_wait3A_263 : memref<10000x128xf32, #tpu.memory_space<hbm>>) dst(%arg17 : memref<80x128xf32, #tpu.memory_space<vmem>>)
      %dma_start3A_264 = arith.constant 0 : i32
      %dma_start3A_265 = arith.constant 0 : i32
      %dma_start3A_266 = tpu.memref_slice %arg20[%dma_start3A_264, %dma_start3A_265] : memref<10000x128xf32, #tpu.memory_space<vmem_shared>> -> memref<10000x128xf32, #tpu.memory_space<vmem_shared>>
      tpu.enqueue_indirect_dma source(%arg17 : memref<80x128xf32, #tpu.memory_space<vmem>>) target(%dma_start3A_266 : memref<10000x128xf32, #tpu.memory_space<vmem_shared>>) offsets(%arg14 : memref<80xi32, #tpu.memory_space<vmem>>) semaphore(%arg33 : memref<!tpu.dma_semaphore, #tpu.memory_space<semaphore_mem>>) {add = true}
      %get3A_267 = arith.constant 0 : index
      %get3A_268 = tpu.vector_load %arg14[%get3A_267] {strides = array<i32>} : memref<80xi32, #tpu.memory_space<vmem>>, vector<16xi32>,
      %shift_right_logical3A_269 = arith.constant 7 : i32
      %shift_right_logical3A_270 = vector.broadcast %shift_right_logical3A_269 : i32 to vector<16xi32>
      %shift_right_logical3A_271 = arith.shrui %get3A_268, %shift_right_logical3A_270 : vector<16xi32>
      %and3A_272 = arith.constant 127 : i32
      %and3A_273 = vector.broadcast %and3A_272 : i32 to vector<16xi32>
      %and3A_274 = arith.andi %get3A_268, %and3A_273 : vector<16xi32>
      %broadcast_in_dim3A_275 = arith.constant true
      %broadcast_in_dim3A_276 = vector.broadcast %broadcast_in_dim3A_275 : i1 to vector<16xi1>
      %unique3A_277, %unique3A_278 = tpu.scan_count mask(%broadcast_in_dim3A_276 : vector<16xi1>) value(%get3A_268 : vector<16xi32>) : vector<16xi1>, vector<16xi32>
      %convert_element_type3A_279 = arith.sitofp %unique3A_278 : vector<16xi32> to vector<16xf32>
      tpu.vector_store_idx %arg18[%shift_right_logical3A_271, %and3A_274], %convert_element_type3A_279 masked %unique3A_277 {add = true} : memref<80x128xf32, #tpu.memory_space<vmem>>[vector<16xi32>, vector<16xi32>], vector<16xf32>, vector<16xi1>
      %get3A_280 = arith.constant 16 : index
      %get3A_281 = tpu.vector_load %arg14[%get3A_280] {strides = array<i32>} : memref<80xi32, #tpu.memory_space<vmem>>, vector<16xi32>,
      %shift_right_logical3A_282 = arith.constant 7 : i32
      %shift_right_logical3A_283 = vector.broadcast %shift_right_logical3A_282 : i32 to vector<16xi32>
      %shift_right_logical3A_284 = arith.shrui %get3A_281, %shift_right_logical3A_283 : vector<16xi32>
      %and3A_285 = arith.constant 127 : i32
      %and3A_286 = vector.broadcast %and3A_285 : i32 to vector<16xi32>
      %and3A_287 = arith.andi %get3A_281, %and3A_286 : vector<16xi32>
      %broadcast_in_dim3A_288 = arith.constant true
      %broadcast_in_dim3A_289 = vector.broadcast %broadcast_in_dim3A_288 : i1 to vector<16xi1>
      %unique3A_290, %unique3A_291 = tpu.scan_count mask(%broadcast_in_dim3A_289 : vector<16xi1>) value(%get3A_281 : vector<16xi32>) : vector<16xi1>, vector<16xi32>
      %convert_element_type3A_292 = arith.sitofp %unique3A_291 : vector<16xi32> to vector<16xf32>
      tpu.vector_store_idx %arg18[%shift_right_logical3A_284, %and3A_287], %convert_element_type3A_292 masked %unique3A_290 {add = true} : memref<80x128xf32, #tpu.memory_space<vmem>>[vector<16xi32>, vector<16xi32>], vector<16xf32>, vector<16xi1>
      %get3A_293 = arith.constant 32 : index
      %get3A_294 = tpu.vector_load %arg14[%get3A_293] {strides = array<i32>} : memref<80xi32, #tpu.memory_space<vmem>>, vector<16xi32>,
      %shift_right_logical3A_295 = arith.constant 7 : i32
      %shift_right_logical3A_296 = vector.broadcast %shift_right_logical3A_295 : i32 to vector<16xi32>
      %shift_right_logical3A_297 = arith.shrui %get3A_294, %shift_right_logical3A_296 : vector<16xi32>
      %and3A_298 = arith.constant 127 : i32
      %and3A_299 = vector.broadcast %and3A_298 : i32 to vector<16xi32>
      %and3A_300 = arith.andi %get3A_294, %and3A_299 : vector<16xi32>
      %broadcast_in_dim3A_301 = arith.constant true
      %broadcast_in_dim3A_302 = vector.broadcast %broadcast_in_dim3A_301 : i1 to vector<16xi1>
      %unique3A_303, %unique3A_304 = tpu.scan_count mask(%broadcast_in_dim3A_302 : vector<16xi1>) value(%get3A_294 : vector<16xi32>) : vector<16xi1>, vector<16xi32>
      %convert_element_type3A_305 = arith.sitofp %unique3A_304 : vector<16xi32> to vector<16xf32>
      tpu.vector_store_idx %arg18[%shift_right_logical3A_297, %and3A_300], %convert_element_type3A_305 masked %unique3A_303 {add = true} : memref<80x128xf32, #tpu.memory_space<vmem>>[vector<16xi32>, vector<16xi32>], vector<16xf32>, vector<16xi1>
      %get3A_306 = arith.constant 48 : index
      %get3A_307 = tpu.vector_load %arg14[%get3A_306] {strides = array<i32>} : memref<80xi32, #tpu.memory_space<vmem>>, vector<16xi32>,
      %shift_right_logical3A_308 = arith.constant 7 : i32
      %shift_right_logical3A_309 = vector.broadcast %shift_right_logical3A_308 : i32 to vector<16xi32>
      %shift_right_logical3A_310 = arith.shrui %get3A_307, %shift_right_logical3A_309 : vector<16xi32>
      %and3A_311 = arith.constant 127 : i32
      %and3A_312 = vector.broadcast %and3A_311 : i32 to vector<16xi32>
      %and3A_313 = arith.andi %get3A_307, %and3A_312 : vector<16xi32>
      %broadcast_in_dim3A_314 = arith.constant true
      %broadcast_in_dim3A_315 = vector.broadcast %broadcast_in_dim3A_314 : i1 to vector<16xi1>
      %unique3A_316, %unique3A_317 = tpu.scan_count mask(%broadcast_in_dim3A_315 : vector<16xi1>) value(%get3A_307 : vector<16xi32>) : vector<16xi1>, vector<16xi32>
      %convert_element_type3A_318 = arith.sitofp %unique3A_317 : vector<16xi32> to vector<16xf32>
      tpu.vector_store_idx %arg18[%shift_right_logical3A_310, %and3A_313], %convert_element_type3A_318 masked %unique3A_316 {add = true} : memref<80x128xf32, #tpu.memory_space<vmem>>[vector<16xi32>, vector<16xi32>], vector<16xf32>, vector<16xi1>
      %get3A_319 = arith.constant 64 : index
      %get3A_320 = tpu.vector_load %arg14[%get3A_319] {strides = array<i32>} : memref<80xi32, #tpu.memory_space<vmem>>, vector<16xi32>,
      %shift_right_logical3A_321 = arith.constant 7 : i32
      %shift_right_logical3A_322 = vector.broadcast %shift_right_logical3A_321 : i32 to vector<16xi32>
      %shift_right_logical3A_323 = arith.shrui %get3A_320, %shift_right_logical3A_322 : vector<16xi32>
      %and3A_324 = arith.constant 127 : i32
      %and3A_325 = vector.broadcast %and3A_324 : i32 to vector<16xi32>
      %and3A_326 = arith.andi %get3A_320, %and3A_325 : vector<16xi32>
      %broadcast_in_dim3A_327 = arith.constant true
      %broadcast_in_dim3A_328 = vector.broadcast %broadcast_in_dim3A_327 : i1 to vector<16xi1>
      %unique3A_329, %unique3A_330 = tpu.scan_count mask(%broadcast_in_dim3A_328 : vector<16xi1>) value(%get3A_320 : vector<16xi32>) : vector<16xi1>, vector<16xi32>
      %convert_element_type3A_331 = arith.sitofp %unique3A_330 : vector<16xi32> to vector<16xf32>
      tpu.vector_store_idx %arg18[%shift_right_logical3A_323, %and3A_326], %convert_element_type3A_331 masked %unique3A_329 {add = true} : memref<80x128xf32, #tpu.memory_space<vmem>>[vector<16xi32>, vector<16xi32>], vector<16xf32>, vector<16xi1>
      %mul3A_332 = arith.constant 3 : i32
      %mul3A_333 = arith.muli %scan3A_232, %mul3A_332 : i32
      %add3A_334 = arith.constant 2 : i32
      %add3A_335 = arith.addi %add3A_334, %mul3A_333 : i32
      %add3A_336 = arith.constant 1 : i32
      %add3A_337 = arith.addi %add3A_335, %add3A_336 : i32
      %add3A_338 = arith.constant 1 : i32
      %add3A_339 = arith.addi %add3A_337, %add3A_338 : i32
      %lt3A_340 = arith.constant 125 : i32
      %lt3A_341 = arith.cmpi slt, %add3A_339, %lt3A_340 : i32
      %convert_element_type3A_342 = arith.extui %lt3A_341 : i1 to i32
      %cond3A_343 = arith.constant 0 : i32
      %cond3A_344 = arith.cmpi ne, %convert_element_type3A_342, %cond3A_343 : i32
      scf.if %cond3A_344 {
        %add3A_532 = arith.constant 1 : i32
        %add3A_533 = arith.addi %add3A_337, %add3A_532 : i32
        %mul3A_534 = arith.constant 80 : i32
        %mul3A_535 = arith.muli %add3A_533, %mul3A_534 : i32
        %add3A_536 = arith.addi %multiple_of3A_12, %mul3A_535 : i32
        %multiple_of3A_537 = tpu.assume_multiple %add3A_536, 8 : i32
        %dma_wait3A_538 = tpu.memref_slice %arg3[%multiple_of3A_537] : memref<320000xi32, #tpu.memory_space<hbm>> -> memref<80xi32, #tpu.memory_space<hbm>>
        %dma_wait3A_539 = tpu.memref_slice %arg3[%multiple_of3A_537] : memref<320000xi32, #tpu.memory_space<hbm>> -> memref<80xi32, #tpu.memory_space<hbm>>
        tpu.wait_dma2 semaphore(%arg29 : memref<!tpu.dma_semaphore, #tpu.memory_space<semaphore_mem>>) src(%dma_wait3A_539 : memref<80xi32, #tpu.memory_space<hbm>>) dst(%arg10 : memref<80xi32, #tpu.memory_space<vmem>>)
        %dma_start3A_540 = arith.constant 0 : i32
        %dma_start3A_541 = arith.constant 0 : i32
        %dma_start3A_542 = tpu.memref_slice %arg2[%dma_start3A_540, %dma_start3A_541] : memref<10000x128xf32, #tpu.memory_space<hbm>> -> memref<10000x128xf32, #tpu.memory_space<hbm>>
        tpu.enqueue_indirect_dma source(%dma_start3A_542 : memref<10000x128xf32, #tpu.memory_space<hbm>>) target(%arg16 : memref<80x128xf32, #tpu.memory_space<vmem>>) offsets(%arg10 : memref<80xi32, #tpu.memory_space<vmem>>) semaphore(%arg23 : memref<!tpu.dma_semaphore, #tpu.memory_space<semaphore_mem>>)
      } else {
      }
      %dma_wait3A_345 = arith.constant 0 : i32
      %dma_wait3A_346 = arith.constant 0 : i32
      %dma_wait3A_347 = tpu.memref_slice %arg20[%dma_wait3A_345, %dma_wait3A_346] : memref<10000x128xf32, #tpu.memory_space<vmem_shared>> -> memref<10000x128xf32, #tpu.memory_space<vmem_shared>>
      tpu.wait_indirect_dma semaphore(%arg33 : memref<!tpu.dma_semaphore, #tpu.memory_space<semaphore_mem>>) src(%arg17 : memref<80x128xf32, #tpu.memory_space<vmem>>) dst(%dma_wait3A_347 : memref<10000x128xf32, #tpu.memory_space<vmem_shared>>)
      %add3A_348 = arith.constant 2 : i32
      %add3A_349 = arith.addi %add3A_337, %add3A_348 : i32
      %lt3A_350 = arith.constant 125 : i32
      %lt3A_351 = arith.cmpi slt, %add3A_349, %lt3A_350 : i32
      %convert_element_type3A_352 = arith.extui %lt3A_351 : i1 to i32
      %cond3A_353 = arith.constant 0 : i32
      %cond3A_354 = arith.cmpi ne, %convert_element_type3A_352, %cond3A_353 : i32
      scf.if %cond3A_354 {
        %add3A_532 = arith.constant 2 : i32
        %add3A_533 = arith.addi %add3A_337, %add3A_532 : i32
        %mul3A_534 = arith.constant 80 : i32
        %mul3A_535 = arith.muli %add3A_533, %mul3A_534 : i32
        %add3A_536 = arith.addi %multiple_of3A_12, %mul3A_535 : i32
        %multiple_of3A_537 = tpu.assume_multiple %add3A_536, 8 : i32
        %dma_start3A_538 = tpu.memref_slice %arg3[%multiple_of3A_537] : memref<320000xi32, #tpu.memory_space<hbm>> -> memref<80xi32, #tpu.memory_space<hbm>>
        %dma_start3A_539 = tpu.memref_slice %arg3[%multiple_of3A_537] : memref<320000xi32, #tpu.memory_space<hbm>> -> memref<80xi32, #tpu.memory_space<hbm>>
        tpu.enqueue_dma source(%dma_start3A_539 : memref<80xi32, #tpu.memory_space<hbm>>) target(%arg11 : memref<80xi32, #tpu.memory_space<vmem>>) target_semaphore(%arg30 : memref<!tpu.dma_semaphore, #tpu.memory_space<semaphore_mem>>)
        %dma_start3A_540 = tpu.memref_slice %arg4[%multiple_of3A_537] : memref<320000xi32, #tpu.memory_space<hbm>> -> memref<80xi32, #tpu.memory_space<hbm>>
        %dma_start3A_541 = tpu.memref_slice %arg4[%multiple_of3A_537] : memref<320000xi32, #tpu.memory_space<hbm>> -> memref<80xi32, #tpu.memory_space<hbm>>
        tpu.enqueue_dma source(%dma_start3A_541 : memref<80xi32, #tpu.memory_space<hbm>>) target(%arg14 : memref<80xi32, #tpu.memory_space<vmem>>) target_semaphore(%arg27 : memref<!tpu.dma_semaphore, #tpu.memory_space<semaphore_mem>>)
      } else {
      }
      %mul3A_355 = arith.constant 80 : i32
      %mul3A_356 = arith.muli %add3A_337, %mul3A_355 : i32
      %add3A_357 = arith.addi %multiple_of3A_12, %mul3A_356 : i32
      %multiple_of3A_358 = tpu.assume_multiple %add3A_357, 8 : i32
      %dma_wait3A_359 = tpu.memref_slice %arg4[%multiple_of3A_358] : memref<320000xi32, #tpu.memory_space<hbm>> -> memref<80xi32, #tpu.memory_space<hbm>>
      %dma_wait3A_360 = tpu.memref_slice %arg4[%multiple_of3A_358] : memref<320000xi32, #tpu.memory_space<hbm>> -> memref<80xi32, #tpu.memory_space<hbm>>
      tpu.wait_dma2 semaphore(%arg25 : memref<!tpu.dma_semaphore, #tpu.memory_space<semaphore_mem>>) src(%dma_wait3A_360 : memref<80xi32, #tpu.memory_space<hbm>>) dst(%arg12 : memref<80xi32, #tpu.memory_space<vmem>>)
      %dma_wait3A_361 = arith.constant 0 : i32
      %dma_wait3A_362 = arith.constant 0 : i32
      %dma_wait3A_363 = tpu.memref_slice %arg2[%dma_wait3A_361, %dma_wait3A_362] : memref<10000x128xf32, #tpu.memory_space<hbm>> -> memref<10000x128xf32, #tpu.memory_space<hbm>>
      tpu.wait_indirect_dma semaphore(%arg22 : memref<!tpu.dma_semaphore, #tpu.memory_space<semaphore_mem>>) src(%dma_wait3A_363 : memref<10000x128xf32, #tpu.memory_space<hbm>>) dst(%arg15 : memref<80x128xf32, #tpu.memory_space<vmem>>)
      %dma_start3A_364 = arith.constant 0 : i32
      %dma_start3A_365 = arith.constant 0 : i32
      %dma_start3A_366 = tpu.memref_slice %arg20[%dma_start3A_364, %dma_start3A_365] : memref<10000x128xf32, #tpu.memory_space<vmem_shared>> -> memref<10000x128xf32, #tpu.memory_space<vmem_shared>>
      tpu.enqueue_indirect_dma source(%arg15 : memref<80x128xf32, #tpu.memory_space<vmem>>) target(%dma_start3A_366 : memref<10000x128xf32, #tpu.memory_space<vmem_shared>>) offsets(%arg12 : memref<80xi32, #tpu.memory_space<vmem>>) semaphore(%arg31 : memref<!tpu.dma_semaphore, #tpu.memory_space<semaphore_mem>>) {add = true}
      %get3A_367 = arith.constant 0 : index
      %get3A_368 = tpu.vector_load %arg12[%get3A_367] {strides = array<i32>} : memref<80xi32, #tpu.memory_space<vmem>>, vector<16xi32>,
      %shift_right_logical3A_369 = arith.constant 7 : i32
      %shift_right_logical3A_370 = vector.broadcast %shift_right_logical3A_369 : i32 to vector<16xi32>
      %shift_right_logical3A_371 = arith.shrui %get3A_368, %shift_right_logical3A_370 : vector<16xi32>
      %and3A_372 = arith.constant 127 : i32
      %and3A_373 = vector.broadcast %and3A_372 : i32 to vector<16xi32>
      %and3A_374 = arith.andi %get3A_368, %and3A_373 : vector<16xi32>
      %broadcast_in_dim3A_375 = arith.constant true
      %broadcast_in_dim3A_376 = vector.broadcast %broadcast_in_dim3A_375 : i1 to vector<16xi1>
      %unique3A_377, %unique3A_378 = tpu.scan_count mask(%broadcast_in_dim3A_376 : vector<16xi1>) value(%get3A_368 : vector<16xi32>) : vector<16xi1>, vector<16xi32>
      %convert_element_type3A_379 = arith.sitofp %unique3A_378 : vector<16xi32> to vector<16xf32>
      tpu.vector_store_idx %arg18[%shift_right_logical3A_371, %and3A_374], %convert_element_type3A_379 masked %unique3A_377 {add = true} : memref<80x128xf32, #tpu.memory_space<vmem>>[vector<16xi32>, vector<16xi32>], vector<16xf32>, vector<16xi1>
      %get3A_380 = arith.constant 16 : index
      %get3A_381 = tpu.vector_load %arg12[%get3A_380] {strides = array<i32>} : memref<80xi32, #tpu.memory_space<vmem>>, vector<16xi32>,
      %shift_right_logical3A_382 = arith.constant 7 : i32
      %shift_right_logical3A_383 = vector.broadcast %shift_right_logical3A_382 : i32 to vector<16xi32>
      %shift_right_logical3A_384 = arith.shrui %get3A_381, %shift_right_logical3A_383 : vector<16xi32>
      %and3A_385 = arith.constant 127 : i32
      %and3A_386 = vector.broadcast %and3A_385 : i32 to vector<16xi32>
      %and3A_387 = arith.andi %get3A_381, %and3A_386 : vector<16xi32>
      %broadcast_in_dim3A_388 = arith.constant true
      %broadcast_in_dim3A_389 = vector.broadcast %broadcast_in_dim3A_388 : i1 to vector<16xi1>
      %unique3A_390, %unique3A_391 = tpu.scan_count mask(%broadcast_in_dim3A_389 : vector<16xi1>) value(%get3A_381 : vector<16xi32>) : vector<16xi1>, vector<16xi32>
      %convert_element_type3A_392 = arith.sitofp %unique3A_391 : vector<16xi32> to vector<16xf32>
      tpu.vector_store_idx %arg18[%shift_right_logical3A_384, %and3A_387], %convert_element_type3A_392 masked %unique3A_390 {add = true} : memref<80x128xf32, #tpu.memory_space<vmem>>[vector<16xi32>, vector<16xi32>], vector<16xf32>, vector<16xi1>
      %get3A_393 = arith.constant 32 : index
      %get3A_394 = tpu.vector_load %arg12[%get3A_393] {strides = array<i32>} : memref<80xi32, #tpu.memory_space<vmem>>, vector<16xi32>,
      %shift_right_logical3A_395 = arith.constant 7 : i32
      %shift_right_logical3A_396 = vector.broadcast %shift_right_logical3A_395 : i32 to vector<16xi32>
      %shift_right_logical3A_397 = arith.shrui %get3A_394, %shift_right_logical3A_396 : vector<16xi32>
      %and3A_398 = arith.constant 127 : i32
      %and3A_399 = vector.broadcast %and3A_398 : i32 to vector<16xi32>
      %and3A_400 = arith.andi %get3A_394, %and3A_399 : vector<16xi32>
      %broadcast_in_dim3A_401 = arith.constant true
      %broadcast_in_dim3A_402 = vector.broadcast %broadcast_in_dim3A_401 : i1 to vector<16xi1>
      %unique3A_403, %unique3A_404 = tpu.scan_count mask(%broadcast_in_dim3A_402 : vector<16xi1>) value(%get3A_394 : vector<16xi32>) : vector<16xi1>, vector<16xi32>
      %convert_element_type3A_405 = arith.sitofp %unique3A_404 : vector<16xi32> to vector<16xf32>
      tpu.vector_store_idx %arg18[%shift_right_logical3A_397, %and3A_400], %convert_element_type3A_405 masked %unique3A_403 {add = true} : memref<80x128xf32, #tpu.memory_space<vmem>>[vector<16xi32>, vector<16xi32>], vector<16xf32>, vector<16xi1>
      %get3A_406 = arith.constant 48 : index
      %get3A_407 = tpu.vector_load %arg12[%get3A_406] {strides = array<i32>} : memref<80xi32, #tpu.memory_space<vmem>>, vector<16xi32>,
      %shift_right_logical3A_408 = arith.constant 7 : i32
      %shift_right_logical3A_409 = vector.broadcast %shift_right_logical3A_408 : i32 to vector<16xi32>
      %shift_right_logical3A_410 = arith.shrui %get3A_407, %shift_right_logical3A_409 : vector<16xi32>
      %and3A_411 = arith.constant 127 : i32
      %and3A_412 = vector.broadcast %and3A_411 : i32 to vector<16xi32>
      %and3A_413 = arith.andi %get3A_407, %and3A_412 : vector<16xi32>
      %broadcast_in_dim3A_414 = arith.constant true
      %broadcast_in_dim3A_415 = vector.broadcast %broadcast_in_dim3A_414 : i1 to vector<16xi1>
      %unique3A_416, %unique3A_417 = tpu.scan_count mask(%broadcast_in_dim3A_415 : vector<16xi1>) value(%get3A_407 : vector<16xi32>) : vector<16xi1>, vector<16xi32>
      %convert_element_type3A_418 = arith.sitofp %unique3A_417 : vector<16xi32> to vector<16xf32>
      tpu.vector_store_idx %arg18[%shift_right_logical3A_410, %and3A_413], %convert_element_type3A_418 masked %unique3A_416 {add = true} : memref<80x128xf32, #tpu.memory_space<vmem>>[vector<16xi32>, vector<16xi32>], vector<16xf32>, vector<16xi1>
      %get3A_419 = arith.constant 64 : index
      %get3A_420 = tpu.vector_load %arg12[%get3A_419] {strides = array<i32>} : memref<80xi32, #tpu.memory_space<vmem>>, vector<16xi32>,
      %shift_right_logical3A_421 = arith.constant 7 : i32
      %shift_right_logical3A_422 = vector.broadcast %shift_right_logical3A_421 : i32 to vector<16xi32>
      %shift_right_logical3A_423 = arith.shrui %get3A_420, %shift_right_logical3A_422 : vector<16xi32>
      %and3A_424 = arith.constant 127 : i32
      %and3A_425 = vector.broadcast %and3A_424 : i32 to vector<16xi32>
      %and3A_426 = arith.andi %get3A_420, %and3A_425 : vector<16xi32>
      %broadcast_in_dim3A_427 = arith.constant true
      %broadcast_in_dim3A_428 = vector.broadcast %broadcast_in_dim3A_427 : i1 to vector<16xi1>
      %unique3A_429, %unique3A_430 = tpu.scan_count mask(%broadcast_in_dim3A_428 : vector<16xi1>) value(%get3A_420 : vector<16xi32>) : vector<16xi1>, vector<16xi32>
      %convert_element_type3A_431 = arith.sitofp %unique3A_430 : vector<16xi32> to vector<16xf32>
      tpu.vector_store_idx %arg18[%shift_right_logical3A_423, %and3A_426], %convert_element_type3A_431 masked %unique3A_429 {add = true} : memref<80x128xf32, #tpu.memory_space<vmem>>[vector<16xi32>, vector<16xi32>], vector<16xf32>, vector<16xi1>
      %mul3A_432 = arith.constant 3 : i32
      %mul3A_433 = arith.muli %scan3A_232, %mul3A_432 : i32
      %add3A_434 = arith.constant 2 : i32
      %add3A_435 = arith.addi %add3A_434, %mul3A_433 : i32
      %add3A_436 = arith.constant 2 : i32
      %add3A_437 = arith.addi %add3A_435, %add3A_436 : i32
      %add3A_438 = arith.constant 1 : i32
      %add3A_439 = arith.addi %add3A_437, %add3A_438 : i32
      %lt3A_440 = arith.constant 125 : i32
      %lt3A_441 = arith.cmpi slt, %add3A_439, %lt3A_440 : i32
      %convert_element_type3A_442 = arith.extui %lt3A_441 : i1 to i32
      %cond3A_443 = arith.constant 0 : i32
      %cond3A_444 = arith.cmpi ne, %convert_element_type3A_442, %cond3A_443 : i32
      scf.if %cond3A_444 {
        %add3A_532 = arith.constant 1 : i32
        %add3A_533 = arith.addi %add3A_437, %add3A_532 : i32
        %mul3A_534 = arith.constant 80 : i32
        %mul3A_535 = arith.muli %add3A_533, %mul3A_534 : i32
        %add3A_536 = arith.addi %multiple_of3A_12, %mul3A_535 : i32
        %multiple_of3A_537 = tpu.assume_multiple %add3A_536, 8 : i32
        %dma_wait3A_538 = tpu.memref_slice %arg3[%multiple_of3A_537] : memref<320000xi32, #tpu.memory_space<hbm>> -> memref<80xi32, #tpu.memory_space<hbm>>
        %dma_wait3A_539 = tpu.memref_slice %arg3[%multiple_of3A_537] : memref<320000xi32, #tpu.memory_space<hbm>> -> memref<80xi32, #tpu.memory_space<hbm>>
        tpu.wait_dma2 semaphore(%arg30 : memref<!tpu.dma_semaphore, #tpu.memory_space<semaphore_mem>>) src(%dma_wait3A_539 : memref<80xi32, #tpu.memory_space<hbm>>) dst(%arg11 : memref<80xi32, #tpu.memory_space<vmem>>)
        %dma_start3A_540 = arith.constant 0 : i32
        %dma_start3A_541 = arith.constant 0 : i32
        %dma_start3A_542 = tpu.memref_slice %arg2[%dma_start3A_540, %dma_start3A_541] : memref<10000x128xf32, #tpu.memory_space<hbm>> -> memref<10000x128xf32, #tpu.memory_space<hbm>>
        tpu.enqueue_indirect_dma source(%dma_start3A_542 : memref<10000x128xf32, #tpu.memory_space<hbm>>) target(%arg17 : memref<80x128xf32, #tpu.memory_space<vmem>>) offsets(%arg11 : memref<80xi32, #tpu.memory_space<vmem>>) semaphore(%arg24 : memref<!tpu.dma_semaphore, #tpu.memory_space<semaphore_mem>>)
      } else {
      }
      %dma_wait3A_445 = arith.constant 0 : i32
      %dma_wait3A_446 = arith.constant 0 : i32
      %dma_wait3A_447 = tpu.memref_slice %arg20[%dma_wait3A_445, %dma_wait3A_446] : memref<10000x128xf32, #tpu.memory_space<vmem_shared>> -> memref<10000x128xf32, #tpu.memory_space<vmem_shared>>
      tpu.wait_indirect_dma semaphore(%arg31 : memref<!tpu.dma_semaphore, #tpu.memory_space<semaphore_mem>>) src(%arg15 : memref<80x128xf32, #tpu.memory_space<vmem>>) dst(%dma_wait3A_447 : memref<10000x128xf32, #tpu.memory_space<vmem_shared>>)
      %add3A_448 = arith.constant 2 : i32
      %add3A_449 = arith.addi %add3A_437, %add3A_448 : i32
      %lt3A_450 = arith.constant 125 : i32
      %lt3A_451 = arith.cmpi slt, %add3A_449, %lt3A_450 : i32
      %convert_element_type3A_452 = arith.extui %lt3A_451 : i1 to i32
      %cond3A_453 = arith.constant 0 : i32
      %cond3A_454 = arith.cmpi ne, %convert_element_type3A_452, %cond3A_453 : i32
      scf.if %cond3A_454 {
        %add3A_532 = arith.constant 2 : i32
        %add3A_533 = arith.addi %add3A_437, %add3A_532 : i32
        %mul3A_534 = arith.constant 80 : i32
        %mul3A_535 = arith.muli %add3A_533, %mul3A_534 : i32
        %add3A_536 = arith.addi %multiple_of3A_12, %mul3A_535 : i32
        %multiple_of3A_537 = tpu.assume_multiple %add3A_536, 8 : i32
        %dma_start3A_538 = tpu.memref_slice %arg3[%multiple_of3A_537] : memref<320000xi32, #tpu.memory_space<hbm>> -> memref<80xi32, #tpu.memory_space<hbm>>
        %dma_start3A_539 = tpu.memref_slice %arg3[%multiple_of3A_537] : memref<320000xi32, #tpu.memory_space<hbm>> -> memref<80xi32, #tpu.memory_space<hbm>>
        tpu.enqueue_dma source(%dma_start3A_539 : memref<80xi32, #tpu.memory_space<hbm>>) target(%arg9 : memref<80xi32, #tpu.memory_space<vmem>>) target_semaphore(%arg28 : memref<!tpu.dma_semaphore, #tpu.memory_space<semaphore_mem>>)
        %dma_start3A_540 = tpu.memref_slice %arg4[%multiple_of3A_537] : memref<320000xi32, #tpu.memory_space<hbm>> -> memref<80xi32, #tpu.memory_space<hbm>>
        %dma_start3A_541 = tpu.memref_slice %arg4[%multiple_of3A_537] : memref<320000xi32, #tpu.memory_space<hbm>> -> memref<80xi32, #tpu.memory_space<hbm>>
        tpu.enqueue_dma source(%dma_start3A_541 : memref<80xi32, #tpu.memory_space<hbm>>) target(%arg12 : memref<80xi32, #tpu.memory_space<vmem>>) target_semaphore(%arg25 : memref<!tpu.dma_semaphore, #tpu.memory_space<semaphore_mem>>)
      } else {
      }
      %mul3A_455 = arith.constant 80 : i32
      %mul3A_456 = arith.muli %add3A_437, %mul3A_455 : i32
      %add3A_457 = arith.addi %multiple_of3A_12, %mul3A_456 : i32
      %multiple_of3A_458 = tpu.assume_multiple %add3A_457, 8 : i32
      %dma_wait3A_459 = tpu.memref_slice %arg4[%multiple_of3A_458] : memref<320000xi32, #tpu.memory_space<hbm>> -> memref<80xi32, #tpu.memory_space<hbm>>
      %dma_wait3A_460 = tpu.memref_slice %arg4[%multiple_of3A_458] : memref<320000xi32, #tpu.memory_space<hbm>> -> memref<80xi32, #tpu.memory_space<hbm>>
      tpu.wait_dma2 semaphore(%arg26 : memref<!tpu.dma_semaphore, #tpu.memory_space<semaphore_mem>>) src(%dma_wait3A_460 : memref<80xi32, #tpu.memory_space<hbm>>) dst(%arg13 : memref<80xi32, #tpu.memory_space<vmem>>)
      %dma_wait3A_461 = arith.constant 0 : i32
      %dma_wait3A_462 = arith.constant 0 : i32
      %dma_wait3A_463 = tpu.memref_slice %arg2[%dma_wait3A_461, %dma_wait3A_462] : memref<10000x128xf32, #tpu.memory_space<hbm>> -> memref<10000x128xf32, #tpu.memory_space<hbm>>
      tpu.wait_indirect_dma semaphore(%arg23 : memref<!tpu.dma_semaphore, #tpu.memory_space<semaphore_mem>>) src(%dma_wait3A_463 : memref<10000x128xf32, #tpu.memory_space<hbm>>) dst(%arg16 : memref<80x128xf32, #tpu.memory_space<vmem>>)
      %dma_start3A_464 = arith.constant 0 : i32
      %dma_start3A_465 = arith.constant 0 : i32
      %dma_start3A_466 = tpu.memref_slice %arg20[%dma_start3A_464, %dma_start3A_465] : memref<10000x128xf32, #tpu.memory_space<vmem_shared>> -> memref<10000x128xf32, #tpu.memory_space<vmem_shared>>
      tpu.enqueue_indirect_dma source(%arg16 : memref<80x128xf32, #tpu.memory_space<vmem>>) target(%dma_start3A_466 : memref<10000x128xf32, #tpu.memory_space<vmem_shared>>) offsets(%arg13 : memref<80xi32, #tpu.memory_space<vmem>>) semaphore(%arg32 : memref<!tpu.dma_semaphore, #tpu.memory_space<semaphore_mem>>) {add = true}
      %get3A_467 = arith.constant 0 : index
      %get3A_468 = tpu.vector_load %arg13[%get3A_467] {strides = array<i32>} : memref<80xi32, #tpu.memory_space<vmem>>, vector<16xi32>,
      %shift_right_logical3A_469 = arith.constant 7 : i32
      %shift_right_logical3A_470 = vector.broadcast %shift_right_logical3A_469 : i32 to vector<16xi32>
      %shift_right_logical3A_471 = arith.shrui %get3A_468, %shift_right_logical3A_470 : vector<16xi32>
      %and3A_472 = arith.constant 127 : i32
      %and3A_473 = vector.broadcast %and3A_472 : i32 to vector<16xi32>
      %and3A_474 = arith.andi %get3A_468, %and3A_473 : vector<16xi32>
      %broadcast_in_dim3A_475 = arith.constant true
      %broadcast_in_dim3A_476 = vector.broadcast %broadcast_in_dim3A_475 : i1 to vector<16xi1>
      %unique3A_477, %unique3A_478 = tpu.scan_count mask(%broadcast_in_dim3A_476 : vector<16xi1>) value(%get3A_468 : vector<16xi32>) : vector<16xi1>, vector<16xi32>
      %convert_element_type3A_479 = arith.sitofp %unique3A_478 : vector<16xi32> to vector<16xf32>
      tpu.vector_store_idx %arg18[%shift_right_logical3A_471, %and3A_474], %convert_element_type3A_479 masked %unique3A_477 {add = true} : memref<80x128xf32, #tpu.memory_space<vmem>>[vector<16xi32>, vector<16xi32>], vector<16xf32>, vector<16xi1>
      %get3A_480 = arith.constant 16 : index
      %get3A_481 = tpu.vector_load %arg13[%get3A_480] {strides = array<i32>} : memref<80xi32, #tpu.memory_space<vmem>>, vector<16xi32>,
      %shift_right_logical3A_482 = arith.constant 7 : i32
      %shift_right_logical3A_483 = vector.broadcast %shift_right_logical3A_482 : i32 to vector<16xi32>
      %shift_right_logical3A_484 = arith.shrui %get3A_481, %shift_right_logical3A_483 : vector<16xi32>
      %and3A_485 = arith.constant 127 : i32
      %and3A_486 = vector.broadcast %and3A_485 : i32 to vector<16xi32>
      %and3A_487 = arith.andi %get3A_481, %and3A_486 : vector<16xi32>
      %broadcast_in_dim3A_488 = arith.constant true
      %broadcast_in_dim3A_489 = vector.broadcast %broadcast_in_dim3A_488 : i1 to vector<16xi1>
      %unique3A_490, %unique3A_491 = tpu.scan_count mask(%broadcast_in_dim3A_489 : vector<16xi1>) value(%get3A_481 : vector<16xi32>) : vector<16xi1>, vector<16xi32>
      %convert_element_type3A_492 = arith.sitofp %unique3A_491 : vector<16xi32> to vector<16xf32>
      tpu.vector_store_idx %arg18[%shift_right_logical3A_484, %and3A_487], %convert_element_type3A_492 masked %unique3A_490 {add = true} : memref<80x128xf32, #tpu.memory_space<vmem>>[vector<16xi32>, vector<16xi32>], vector<16xf32>, vector<16xi1>
      %get3A_493 = arith.constant 32 : index
      %get3A_494 = tpu.vector_load %arg13[%get3A_493] {strides = array<i32>} : memref<80xi32, #tpu.memory_space<vmem>>, vector<16xi32>,
      %shift_right_logical3A_495 = arith.constant 7 : i32
      %shift_right_logical3A_496 = vector.broadcast %shift_right_logical3A_495 : i32 to vector<16xi32>
      %shift_right_logical3A_497 = arith.shrui %get3A_494, %shift_right_logical3A_496 : vector<16xi32>
      %and3A_498 = arith.constant 127 : i32
      %and3A_499 = vector.broadcast %and3A_498 : i32 to vector<16xi32>
      %and3A_500 = arith.andi %get3A_494, %and3A_499 : vector<16xi32>
      %broadcast_in_dim3A_501 = arith.constant true
      %broadcast_in_dim3A_502 = vector.broadcast %broadcast_in_dim3A_501 : i1 to vector<16xi1>
      %unique3A_503, %unique3A_504 = tpu.scan_count mask(%broadcast_in_dim3A_502 : vector<16xi1>) value(%get3A_494 : vector<16xi32>) : vector<16xi1>, vector<16xi32>
      %convert_element_type3A_505 = arith.sitofp %unique3A_504 : vector<16xi32> to vector<16xf32>
      tpu.vector_store_idx %arg18[%shift_right_logical3A_497, %and3A_500], %convert_element_type3A_505 masked %unique3A_503 {add = true} : memref<80x128xf32, #tpu.memory_space<vmem>>[vector<16xi32>, vector<16xi32>], vector<16xf32>, vector<16xi1>
      %get3A_506 = arith.constant 48 : index
      %get3A_507 = tpu.vector_load %arg13[%get3A_506] {strides = array<i32>} : memref<80xi32, #tpu.memory_space<vmem>>, vector<16xi32>,
      %shift_right_logical3A_508 = arith.constant 7 : i32
      %shift_right_logical3A_509 = vector.broadcast %shift_right_logical3A_508 : i32 to vector<16xi32>
      %shift_right_logical3A_510 = arith.shrui %get3A_507, %shift_right_logical3A_509 : vector<16xi32>
      %and3A_511 = arith.constant 127 : i32
      %and3A_512 = vector.broadcast %and3A_511 : i32 to vector<16xi32>
      %and3A_513 = arith.andi %get3A_507, %and3A_512 : vector<16xi32>
      %broadcast_in_dim3A_514 = arith.constant true
      %broadcast_in_dim3A_515 = vector.broadcast %broadcast_in_dim3A_514 : i1 to vector<16xi1>
      %unique3A_516, %unique3A_517 = tpu.scan_count mask(%broadcast_in_dim3A_515 : vector<16xi1>) value(%get3A_507 : vector<16xi32>) : vector<16xi1>, vector<16xi32>
      %convert_element_type3A_518 = arith.sitofp %unique3A_517 : vector<16xi32> to vector<16xf32>
      tpu.vector_store_idx %arg18[%shift_right_logical3A_510, %and3A_513], %convert_element_type3A_518 masked %unique3A_516 {add = true} : memref<80x128xf32, #tpu.memory_space<vmem>>[vector<16xi32>, vector<16xi32>], vector<16xf32>, vector<16xi1>
      %get3A_519 = arith.constant 64 : index
      %get3A_520 = tpu.vector_load %arg13[%get3A_519] {strides = array<i32>} : memref<80xi32, #tpu.memory_space<vmem>>, vector<16xi32>,
      %shift_right_logical3A_521 = arith.constant 7 : i32
      %shift_right_logical3A_522 = vector.broadcast %shift_right_logical3A_521 : i32 to vector<16xi32>
      %shift_right_logical3A_523 = arith.shrui %get3A_520, %shift_right_logical3A_522 : vector<16xi32>
      %and3A_524 = arith.constant 127 : i32
      %and3A_525 = vector.broadcast %and3A_524 : i32 to vector<16xi32>
      %and3A_526 = arith.andi %get3A_520, %and3A_525 : vector<16xi32>
      %broadcast_in_dim3A_527 = arith.constant true
      %broadcast_in_dim3A_528 = vector.broadcast %broadcast_in_dim3A_527 : i1 to vector<16xi1>
      %unique3A_529, %unique3A_530 = tpu.scan_count mask(%broadcast_in_dim3A_528 : vector<16xi1>) value(%get3A_520 : vector<16xi32>) : vector<16xi1>, vector<16xi32>
      %convert_element_type3A_531 = arith.sitofp %unique3A_530 : vector<16xi32> to vector<16xf32>
      tpu.vector_store_idx %arg18[%shift_right_logical3A_523, %and3A_526], %convert_element_type3A_531 masked %unique3A_529 {add = true} : memref<80x128xf32, #tpu.memory_space<vmem>>[vector<16xi32>, vector<16xi32>], vector<16xf32>, vector<16xi1>
    }
    %scan3A_217 = arith.constant 41 : i32
    %dma_wait3A_218 = arith.constant 0 : i32
    %dma_wait3A_219 = arith.constant 0 : i32
    %dma_wait3A_220 = tpu.memref_slice %arg20[%dma_wait3A_218, %dma_wait3A_219] : memref<10000x128xf32, #tpu.memory_space<vmem_shared>> -> memref<10000x128xf32, #tpu.memory_space<vmem_shared>>
    tpu.wait_indirect_dma semaphore(%arg32 : memref<!tpu.dma_semaphore, #tpu.memory_space<semaphore_mem>>) src(%arg16 : memref<80x128xf32, #tpu.memory_space<vmem>>) dst(%dma_wait3A_220 : memref<10000x128xf32, #tpu.memory_space<vmem_shared>>)
    "tpu.region"() ({
      %run_scoped3A = tpu.sem_alloc : memref<!tpu.dma_semaphore, #tpu.memory_space<semaphore_mem>>
      %dma_start3A_232 = arith.constant 0 : i32
      %dma_start3A_233 = arith.constant 0 : i32
      %dma_start3A_234 = tpu.memref_slice %arg21[%dma_start3A_232, %dma_start3A_233] : memref<80x128xf32, #tpu.memory_space<vmem_shared>> -> memref<80x128xf32, #tpu.memory_space<vmem_shared>>
      tpu.enqueue_indirect_dma source(%arg18 : memref<80x128xf32, #tpu.memory_space<vmem>>) target(%dma_start3A_234 : memref<80x128xf32, #tpu.memory_space<vmem_shared>>) offsets(%arg19 : memref<80xi32, #tpu.memory_space<vmem>>) semaphore(%run_scoped3A : memref<!tpu.dma_semaphore, #tpu.memory_space<semaphore_mem>>) {add = true}
      %dma_wait3A_235 = arith.constant 0 : i32
      %dma_wait3A_236 = arith.constant 0 : i32
      %dma_wait3A_237 = tpu.memref_slice %arg21[%dma_wait3A_235, %dma_wait3A_236] : memref<80x128xf32, #tpu.memory_space<vmem_shared>> -> memref<80x128xf32, #tpu.memory_space<vmem_shared>>
      tpu.wait_indirect_dma semaphore(%run_scoped3A : memref<!tpu.dma_semaphore, #tpu.memory_space<semaphore_mem>>) src(%arg18 : memref<80x128xf32, #tpu.memory_space<vmem>>) dst(%dma_wait3A_237 : memref<80x128xf32, #tpu.memory_space<vmem_shared>>)
      tpu.yield
    }) : () -> ()
    %barrier3A_221 = arith.constant 0 : index
    tpu.barrier barrier_id(%barrier3A_221)
    "tpu.region"() ({
      %run_scoped3A = tpu.sem_alloc : memref<!tpu.dma_semaphore, #tpu.memory_space<semaphore_mem>>
      %dma_start3A_232 = arith.constant 0 : i32
      %dma_start3A_233 = tpu.memref_slice %arg7[%arg0, %multiple_of3A, %dma_start3A_232] : memref<2x10000x128xf32, #tpu.memory_space<hbm>> -> memref<1x624x128xf32, #tpu.memory_space<hbm>>
      %dma_start3A_234 = tpu.memref_squeeze %dma_start3A_233 : memref<1x624x128xf32, #tpu.memory_space<hbm>> -> memref<624x128xf32, #tpu.memory_space<hbm>>
      %dma_start3A_235 = arith.constant 0 : i32
      %dma_start3A_236 = tpu.memref_slice %arg20[%multiple_of3A, %dma_start3A_235] : memref<10000x128xf32, #tpu.memory_space<vmem_shared>> -> memref<624x128xf32, #tpu.memory_space<vmem_shared>>
      tpu.enqueue_dma source(%dma_start3A_236 : memref<624x128xf32, #tpu.memory_space<vmem_shared>>) target(%dma_start3A_234 : memref<624x128xf32, #tpu.memory_space<hbm>>) target_semaphore(%run_scoped3A : memref<!tpu.dma_semaphore, #tpu.memory_space<semaphore_mem>>)
      %dma_wait3A_237 = arith.constant 0 : i32
      %dma_wait3A_238 = tpu.memref_slice %arg7[%arg0, %multiple_of3A, %dma_wait3A_237] : memref<2x10000x128xf32, #tpu.memory_space<hbm>> -> memref<1x624x128xf32, #tpu.memory_space<hbm>>
      %dma_wait3A_239 = tpu.memref_squeeze %dma_wait3A_238 : memref<1x624x128xf32, #tpu.memory_space<hbm>> -> memref<624x128xf32, #tpu.memory_space<hbm>>
      %dma_wait3A_240 = arith.constant 0 : i32
      %dma_wait3A_241 = tpu.memref_slice %arg20[%multiple_of3A, %dma_wait3A_240] : memref<10000x128xf32, #tpu.memory_space<vmem_shared>> -> memref<624x128xf32, #tpu.memory_space<vmem_shared>>
      tpu.wait_dma2 semaphore(%run_scoped3A : memref<!tpu.dma_semaphore, #tpu.memory_space<semaphore_mem>>) src(%dma_wait3A_241 : memref<624x128xf32, #tpu.memory_space<vmem_shared>>) dst(%dma_wait3A_239 : memref<624x128xf32, #tpu.memory_space<hbm>>)
      tpu.yield
    }) : () -> ()
    %eq3A_222 = arith.constant 15 : i32
    %eq3A_223 = arith.cmpi eq, %arg1, %eq3A_222 : i32
    %convert_element_type3A_224 = arith.extui %eq3A_223 : i1 to i32
    %cond3A_225 = arith.constant 0 : i32
    %cond3A_226 = arith.cmpi ne, %convert_element_type3A_224, %cond3A_225 : i32
    scf.if %cond3A_226 {
      "tpu.region"() ({
        %run_scoped3A = tpu.sem_alloc : memref<!tpu.dma_semaphore, #tpu.memory_space<semaphore_mem>>
        %dma_start3A_232 = arith.constant 9984 : i32
        %dma_start3A_233 = arith.constant 0 : i32
        %dma_start3A_234 = tpu.memref_slice %arg7[%arg0, %dma_start3A_232, %dma_start3A_233] : memref<2x10000x128xf32, #tpu.memory_space<hbm>> -> memref<1x16x128xf32, #tpu.memory_space<hbm>>
        %dma_start3A_235 = tpu.memref_squeeze %dma_start3A_234 : memref<1x16x128xf32, #tpu.memory_space<hbm>> -> memref<16x128xf32, #tpu.memory_space<hbm>>
        %dma_start3A_236 = arith.constant 9984 : i32
        %dma_start3A_237 = arith.constant 0 : i32
        %dma_start3A_238 = tpu.memref_slice %arg20[%dma_start3A_236, %dma_start3A_237] : memref<10000x128xf32, #tpu.memory_space<vmem_shared>> -> memref<16x128xf32, #tpu.memory_space<vmem_shared>>
        tpu.enqueue_dma source(%dma_start3A_238 : memref<16x128xf32, #tpu.memory_space<vmem_shared>>) target(%dma_start3A_235 : memref<16x128xf32, #tpu.memory_space<hbm>>) target_semaphore(%run_scoped3A : memref<!tpu.dma_semaphore, #tpu.memory_space<semaphore_mem>>)
        %dma_wait3A_239 = arith.constant 9984 : i32
        %dma_wait3A_240 = arith.constant 0 : i32
        %dma_wait3A_241 = tpu.memref_slice %arg7[%arg0, %dma_wait3A_239, %dma_wait3A_240] : memref<2x10000x128xf32, #tpu.memory_space<hbm>> -> memref<1x16x128xf32, #tpu.memory_space<hbm>>
        %dma_wait3A_242 = tpu.memref_squeeze %dma_wait3A_241 : memref<1x16x128xf32, #tpu.memory_space<hbm>> -> memref<16x128xf32, #tpu.memory_space<hbm>>
        %dma_wait3A_243 = arith.constant 9984 : i32
        %dma_wait3A_244 = arith.constant 0 : i32
        %dma_wait3A_245 = tpu.memref_slice %arg20[%dma_wait3A_243, %dma_wait3A_244] : memref<10000x128xf32, #tpu.memory_space<vmem_shared>> -> memref<16x128xf32, #tpu.memory_space<vmem_shared>>
        tpu.wait_dma2 semaphore(%run_scoped3A : memref<!tpu.dma_semaphore, #tpu.memory_space<semaphore_mem>>) src(%dma_wait3A_245 : memref<16x128xf32, #tpu.memory_space<vmem_shared>>) dst(%dma_wait3A_242 : memref<16x128xf32, #tpu.memory_space<hbm>>)
        tpu.yield
      }) : () -> ()
    } else {
    }
    %eq3A_227 = arith.constant 0 : i32
    %eq3A_228 = arith.cmpi eq, %arg1, %eq3A_227 : i32
    %convert_element_type3A_229 = arith.extui %eq3A_228 : i1 to i32
    %cond3A_230 = arith.constant 0 : i32
    %cond3A_231 = arith.cmpi ne, %convert_element_type3A_229, %cond3A_230 : i32
    scf.if %cond3A_231 {
      "tpu.region"() ({
        %run_scoped3A = tpu.sem_alloc : memref<!tpu.dma_semaphore, #tpu.memory_space<semaphore_mem>>
        %dma_start3A_232 = arith.constant 0 : i32
        %dma_start3A_233 = arith.constant 0 : i32
        %dma_start3A_234 = tpu.memref_slice %arg8[%arg0, %dma_start3A_232, %dma_start3A_233] : memref<2x80x128xf32, #tpu.memory_space<hbm>> -> memref<1x80x128xf32, #tpu.memory_space<hbm>>
        %dma_start3A_235 = tpu.memref_squeeze %dma_start3A_234 : memref<1x80x128xf32, #tpu.memory_space<hbm>> -> memref<80x128xf32, #tpu.memory_space<hbm>>
        tpu.enqueue_dma source(%arg21 : memref<80x128xf32, #tpu.memory_space<vmem_shared>>) target(%dma_start3A_235 : memref<80x128xf32, #tpu.memory_space<hbm>>) target_semaphore(%run_scoped3A : memref<!tpu.dma_semaphore, #tpu.memory_space<semaphore_mem>>)
        %dma_wait3A_236 = arith.constant 0 : i32
        %dma_wait3A_237 = arith.constant 0 : i32
        %dma_wait3A_238 = tpu.memref_slice %arg8[%arg0, %dma_wait3A_236, %dma_wait3A_237] : memref<2x80x128xf32, #tpu.memory_space<hbm>> -> memref<1x80x128xf32, #tpu.memory_space<hbm>>
        %dma_wait3A_239 = tpu.memref_squeeze %dma_wait3A_238 : memref<1x80x128xf32, #tpu.memory_space<hbm>> -> memref<80x128xf32, #tpu.memory_space<hbm>>
        tpu.wait_dma2 semaphore(%run_scoped3A : memref<!tpu.dma_semaphore, #tpu.memory_space<semaphore_mem>>) src(%arg21 : memref<80x128xf32, #tpu.memory_space<vmem_shared>>) dst(%dma_wait3A_239 : memref<80x128xf32, #tpu.memory_space<hbm>>)
        tpu.yield
      }) : () -> ()
    } else {
    }
    return
  }
}

module attributes {stable_mosaic.version = 14 : i64} {
  func.func @_tc_body(%arg0: i32, %arg1: memref<2000x128xf32, #tpu.memory_space<vmem>>, %arg2: memref<2000x128xf32, #tpu.memory_space<vmem>>, %arg3: memref<2000x1xf32, #tpu.memory_space<vmem>>, %arg4: memref<2000x1xf32, #tpu.memory_space<vmem>>, %arg5: memref<128x128xf32, #tpu.memory_space<vmem>>, %arg6: memref<2000x128xf32, #tpu.memory_space<vmem>>) attributes {dimension_semantics = [#tpu.dimension_semantics<arbitrary>], iteration_bounds = array<i64: 5>, scalar_prefetch = 0 : i64, scratch_operands = 0 : i64, tpu.core_type = #tpu.core_type<tc>, window_params = [{transform_indices = @transform_0, window_bounds = array<i64: 2000, 128>}, {transform_indices = @transform_1, window_bounds = array<i64: 2000, 128>}, {transform_indices = @transform_2, window_bounds = array<i64: 2000, 1>}, {transform_indices = @transform_3, window_bounds = array<i64: 2000, 1>}, {pipeline_mode = #tpu.pipeline_mode<synchronous>, transform_indices = @transform_4, window_bounds = array<i64: 128, 128>}, {transform_indices = @transform_5, window_bounds = array<i64: 2000, 128>}]} {
    %get3A = arith.constant 0 : index
    %get3A_0 = arith.constant 0 : index
    %get3A_1 = vector.load %arg1[%get3A, %get3A_0] : memref<2000x128xf32, #tpu.memory_space<vmem>>, vector<2000x128xf32>
    %get3A_2 = arith.constant 0 : index
    %get3A_3 = arith.constant 0 : index
    %get3A_4 = vector.load %arg2[%get3A_2, %get3A_3] : memref<2000x128xf32, #tpu.memory_space<vmem>>, vector<2000x128xf32>
    %add3A = arith.addf %get3A_1, %get3A_4 : vector<2000x128xf32>
    %get3A_5 = arith.constant 0 : index
    %get3A_6 = arith.constant 0 : index
    %get3A_7 = vector.load %arg3[%get3A_5, %get3A_6] : memref<2000x1xf32, #tpu.memory_space<vmem>>, vector<2000x1xf32>
    %get3A_8 = arith.constant 0 : index
    %get3A_9 = arith.constant 0 : index
    %get3A_10 = vector.load %arg4[%get3A_8, %get3A_9] : memref<2000x1xf32, #tpu.memory_space<vmem>>, vector<2000x1xf32>
    %add3A_11 = arith.addf %get3A_7, %get3A_10 : vector<2000x1xf32>
    %max3A = arith.constant 1.000000e+00 : f32
    %max3A_12 = vector.broadcast %max3A : f32 to vector<2000x1xf32>
    %max3A_13 = arith.maximumf %add3A_11, %max3A_12 : vector<2000x1xf32>
    %div3A = vector.broadcast %max3A_13 : vector<2000x1xf32> to vector<2000x128xf32>
    %div3A_14 = arith.divf %add3A, %div3A : vector<2000x128xf32>
    %get3A_15 = arith.constant 0 : index
    %get3A_16 = arith.constant 0 : index
    %get3A_17 = vector.load %arg5[%get3A_15, %get3A_16] : memref<128x128xf32, #tpu.memory_space<vmem>>, vector<128x128xf32>
    %dot_general3A = arith.constant dense<0.000000e+00> : vector<2000x128xf32>
    %dot_general3A_18 = tpu.matmul %div3A_14, %get3A_17, %dot_general3A {dimension_numbers = #tpu.dot_dimension_numbers<[1], [1], [0], [0], [0, 0, 1, 0], [], []>, transpose_lhs_hint = false} : vector<2000x128xf32>, vector<128x128xf32>, vector<2000x128xf32> -> vector<2000x128xf32>
    %swap3A = arith.constant 0 : index
    %swap3A_19 = arith.constant 0 : index
    %swap3A_20 = vector.load %arg6[%swap3A, %swap3A_19] : memref<2000x128xf32, #tpu.memory_space<vmem>>, vector<2000x128xf32>
    tpu.vector_store %arg6[%swap3A, %swap3A_19], %dot_general3A_18 {strides = array<i32>} : memref<2000x128xf32, #tpu.memory_space<vmem>>, vector<2000x128xf32>,
    return
  }
  func.func @transform_0(%arg0: i32) -> (i32, i32) {
    %c0_i32 = arith.constant 0 : i32
    %c0_i32_0 = arith.constant 0 : i32
    return %arg0, %c0_i32 : i32, i32
  }
  func.func @transform_1(%arg0: i32) -> (i32, i32) {
    %c0_i32 = arith.constant 0 : i32
    %c0_i32_0 = arith.constant 0 : i32
    return %arg0, %c0_i32 : i32, i32
  }
  func.func @transform_2(%arg0: i32) -> (i32, i32) {
    %c0_i32 = arith.constant 0 : i32
    %c0_i32_0 = arith.constant 0 : i32
    return %arg0, %c0_i32 : i32, i32
  }
  func.func @transform_3(%arg0: i32) -> (i32, i32) {
    %c0_i32 = arith.constant 0 : i32
    %c0_i32_0 = arith.constant 0 : i32
    return %arg0, %c0_i32 : i32, i32
  }
  func.func @transform_4(%arg0: i32) -> (i32, i32) {
    %c0_i32 = arith.constant 0 : i32
    %c0_i32_0 = arith.constant 0 : i32
    %c0_i32_1 = arith.constant 0 : i32
    return %c0_i32, %c0_i32_0 : i32, i32
  }
  func.func @transform_5(%arg0: i32) -> (i32, i32) {
    %c0_i32 = arith.constant 0 : i32
    %c0_i32_0 = arith.constant 0 : i32
    return %arg0, %c0_i32 : i32, i32
  }
}

</mosaic_0001>

<sc_bundles>
// kernel: kernel.4.cloned.1.call-start
scs
__scs_entry_jumppad:
0x0: {  	(pc) =	sbr.rel $0x88, $3  }
0x1: {  	(tag) =	ssettag $0x0;
	lr =	simm.s32 $0x1  }
0x2: {  	[smem:$0x3F9E] =	sst lr;
	_ =	strace $0xD0000000  }
0x3: {  	_ = 	snop  }
0x4: {  	_ = 	snop  }
0x5: {  	_ = 	snop  }
0x6: {  	_ = 	snop  }
0x7: {  	_ = 	snop  }
__scs_overlays_trampoline_lowered:
0x8: {  	[smem:$0x3FAD] =	sst s0  }
0x9: {  	[smem:$0x3FAE] =	sst s1  }
0xa: {  	[smem:$0x3FAF] =	sst s2  }
0xb: {  	[smem:$0x3FB0] =	sst s3  }
0xc: {  	[smem:$0x3FB1] =	sst s4  }
0xd: {  	[smem:$0x3FB2] =	sst s5  }
0xe: {  	[smem:$0x3FB3] =	sst s6  }
0xf: {  	[smem:$0x3FB4] =	sst s7  }
0x10: {  	[smem:$0x3FB5] =	sst s8  }
0x11: {  	[smem:$0x3FB6] =	sst s9;
	s0 =	simm.s32 @!p0 $0x0  }
0x12: {  	s1 =	sld [smem:$0x3F9C];
	s0 =	simm.s32 @p0 $0x1  }
0x13: {  	[smem:$0x3FB7] =	sst s0;
	s0 =	simm.s32 @!p1 $0x0  }
0x14: {  	s2 =	sld [smem:$0x3F9B];
	s0 =	simm.s32 @p1 $0x1  }
0x15: {  	[smem:$0x3FB8] =	sst s0;
	s0 =	simm.s32 @!p2 $0x0  }
0x16: {  	s3 =	sld [smem:$0x3FDB];
	s0 =	simm.s32 @p2 $0x1  }
0x17: {  	s4 =	simm.s32 $0x1BF5;
	[smem:$0x3FBA] =	sst s0  }
0x18: {  	s0 =	sld [smem:$0x3F9D];
	_ =	swait.ge [sflag:s4], $0x0  }
0x19: {  	s7 =	sld [smem:$0x3F9E]  }
0x1a: {  	s8 =	sadd.s32 $0xFFFFE003, lr  }
0x1b: {  	s9 =	sadd.s32 $0xFFFFFEF7, lr;
	s5 =	simm.s32 $0xFFFFFFFF;
	p2 =	slt.u32 s8, $0xFFFFF086  }
0x1c: {  	p1 =	slt.u32 s9, $0xF7A;
	s5 =	simm.s32 @!p2 $0x0  }
0x1d: {  	s5 =	simm.s32 @p1 $0x1;
	p0 =	seq.s32 s7, s2  }
0x1e: {  	s7 =	smul.u32 @!p0 $0xF7A, s2;
	p2 =	seq.s32 @!p0 s5, $0x0  }
0x1f: {  	s9 =	smul.u32 $0xF7A, s1;
	s8 =	simm.s32 @!p0 $0x1BF5;
	p2 =	por !p2, p0  }
0x20: {  	[sflag:s8] =	ssyncset.s32 @!p0 $0xFFFFF086;
	s6 =	sadd.s32 @!p0 s3, s7;
	s7 =	simm.s32 @!p0 $0x108  }
0x21: {  	s3 =	sadd.s32 s3, s9;
	s6 =	sadd.s32 @!p0 $0x88, s6;
	s7 =	simm.s32 @p2 $0x1082  }
0x22: {  	[simem:s7], [sflag:s8] =	dma.local @!p0 [hbm:s6], $0xF7A  }
0x23: {  	s9 =	sor.u32 $0xD0000000, s2;
	s6 =	simm.s32 $0x108;
	_ =	swait.ge @!p0 [sflag:s8], $0x0  }
0x24: {  	s3 =	sadd.s32 $0x88, s3;
	s6 =	simm.s32 @!p1 $0x1082;
	[sflag:s4] =	ssyncset.s32 $0xFFFFF086  }
0x25: {  	[simem:s6], [sflag:s4] =	dma.local [hbm:s3], $0xF7A  }
0x26: {  	[smem:$0x3F9E] =	sst s1;
	(tag) =	ssettag s2;
	_ =	strace s9  }
0x27: {  	s1 =	sld [smem:$0x3FAE]  }
0x28: {  	s2 =	sld [smem:$0x3FAF]  }
0x29: {  	s4 =	sld [smem:$0x3FB1]  }
0x2a: {  	p0 =	seq.s32 s5, $0x0;
	s5 =	sld [smem:$0x3FB2]  }
0x2b: {  	s6 =	sld [smem:$0x3FB3]  }
0x2c: {  	s7 =	sld [smem:$0x3FB4]  }
0x2d: {  	s3 =	simm.s32 $0x108;
	s8 =	sld [smem:$0x3FB5]  }
0x2e: {  	s3 =	simm.s32 @!p0 $0x1082;
	s9 =	sld [smem:$0x3FB6]  }
0x2f: {  	lr =	sadd.s32 s0, s3;
	s0 =	sld [smem:$0x3FAD]  }
0x30: {  	s3 =	sld [smem:$0x3FB0]  }
0x31: {  	[smem:$0x3FB9] =	sst s10  }
0x32: {  	s10 =	sld [smem:$0x3FB7];
	_ =	sdelay $0x3  }
0x33: {  	p0 =	seq.s32 s10, $0x1;
	s10 =	sld [smem:$0x3FB9];
	_ =	sdelay $0x3  }
0x34: {  	[smem:$0x3FB9] =	sst s10  }
0x35: {  	s10 =	sld [smem:$0x3FB8];
	_ =	sdelay $0x3  }
0x36: {  	p1 =	seq.s32 s10, $0x1;
	s10 =	sld [smem:$0x3FB9];
	_ =	sdelay $0x3  }
0x37: {  	[smem:$0x3FB9] =	sst s10  }
0x38: {  	s10 =	sld [smem:$0x3FBA]  }
0x39: {  	_ = 	snop;
	(pc) =	sbr.ind lr, $3  }
0x3a: {  	_ = 	snop  }
0x3b: {  	_ = 	snop  }
0x3c: {  	p2 =	seq.s32 s10, $0x1;
	s10 =	sld [smem:$0x3FB9]  }
0x3d: {  	_ =	shalt  }
0x3e: {  	_ =	shalt  }
0x3f: {  	_ =	shalt  }
0x40: {  	_ =	shalt  }
0x41: {  	_ =	shalt  }
0x42: {  	_ =	shalt  }
0x43: {  	_ =	shalt  }
0x44: {  	_ =	shalt  }
0x45: {  	_ =	shalt  }
0x46: {  	_ =	shalt  }
0x47: {  	_ =	shalt  }
0x48: {  	_ =	shalt  }
0x49: {  	_ =	shalt  }
0x4a: {  	_ =	shalt  }
0x4b: {  	_ =	shalt  }
0x4c: {  	_ =	shalt  }
0x4d: {  	_ =	shalt  }
0x4e: {  	_ =	shalt  }
0x4f: {  	_ =	shalt  }
0x50: {  	_ =	shalt  }
0x51: {  	_ =	shalt  }
0x52: {  	_ =	shalt  }
0x53: {  	_ =	shalt  }
0x54: {  	_ =	shalt  }
0x55: {  	_ =	shalt  }
0x56: {  	_ =	shalt  }
0x57: {  	_ =	shalt  }
0x58: {  	_ =	shalt  }
0x59: {  	_ =	shalt  }
0x5a: {  	_ =	shalt  }
0x5b: {  	_ =	shalt  }
0x5c: {  	_ =	shalt  }
0x5d: {  	_ =	shalt  }
0x5e: {  	_ =	shalt  }
0x5f: {  	_ =	shalt  }
0x60: {  	_ =	shalt  }
0x61: {  	_ =	shalt  }
0x62: {  	_ =	shalt  }
0x63: {  	_ =	shalt  }
0x64: {  	_ =	shalt  }
0x65: {  	_ =	shalt  }
0x66: {  	_ =	shalt  }
0x67: {  	_ =	shalt  }
0x68: {  	_ =	shalt  }
0x69: {  	_ =	shalt  }
0x6a: {  	_ =	shalt  }
0x6b: {  	_ =	shalt  }
0x6c: {  	_ =	shalt  }
0x6d: {  	_ =	shalt  }
0x6e: {  	_ =	shalt  }
0x6f: {  	_ =	shalt  }
0x70: {  	_ =	shalt  }
0x71: {  	_ =	shalt  }
0x72: {  	_ =	shalt  }
0x73: {  	_ =	shalt  }
0x74: {  	_ =	shalt  }
0x75: {  	_ =	shalt  }
0x76: {  	_ =	shalt  }
0x77: {  	_ =	shalt  }
0x78: {  	_ =	shalt  }
0x79: {  	_ =	shalt  }
0x7a: {  	_ =	shalt  }
0x7b: {  	_ =	shalt  }
0x7c: {  	_ =	shalt  }
0x7d: {  	_ =	shalt  }
0x7e: {  	_ =	shalt  }
0x7f: {  	_ =	shalt  }
0x80: {  	_ =	shalt  }
0x81: {  	_ =	shalt  }
0x82: {  	_ =	shalt  }
0x83: {  	_ =	shalt  }
0x84: {  	_ =	shalt  }
0x85: {  	_ =	shalt  }
0x86: {  	_ =	shalt  }
0x87: {  	_ =	shalt  }
.Lfunc_end0:
.L_simem_size_0:
called_computation_lowered:
.L_overlay_start_0:
0x88: {  	s2 =	sld [smem:$0x3FD9]  }
0x89: {  	s3 =	sld [smem:$0x3FFE];
	_ =	sdelay $0x1  }
0x8a: {  	s1 =	srdreg.scid  }
0x8b: {  	s0 =	sand.u32 $0x1, s1  }
0x8c: {  	s17 =	sshll.u32 s0, $0xA;
	s2 =	sadd.s32 s3, s2  }
0x8d: {  	s2 =	sadd.s32 s2, s17  }
0x8e: {  	[smem:$0x3FC5] =	sst s2  }
0x8f: {  	_ = 	snop  }
0x90: {  	s2 =	sld [smem:$0x3FC9]  }
0x91: {  	s18 =	sld [smem:$0x3FD0];
	(tm) =	ssettm $0x1  }
0x92: {  	s4 =	sld [smem:$0x3FFB];
	_ =	sdelay $0x3  }
0x93: {  	_ =	strace s4  }
0x94: {  	s4 =	sld [smem:$0x3FFC];
	_ =	sdelay $0x3  }
0x95: {  	_ =	strace s4  }
0x96: {  	s4 =	sld [smem:$0x3FFD];
	_ =	sdelay $0x3  }
0x97: {  	_ =	strace s4  }
0x98: {  	_ =	strace $0x8FFFFFFF  }
0x99: {  	s19 =	sld [smem:$0x3FDB];
	_ =	sdelay $0x1  }
0x9a: {  	s5 =	simm.s32 $_scs_section_size  }
0x9b: {  	s6 =	simm.s32 $_size__tile_overlayer_lowered;
	s7 =	simm.s32 $_tile_overlayer_lowered  }
0x9c: {  	s22 =	simm.s32 $0x1BFF;
	s21 =	sshll.u32 s7, $0x1;
	s4 =	sadd.s32 s5, s19  }
0x9d: {  	s8 =	simm.s32 $0x0;
	s20 =	sshll.u32 s6, $0x1;
	s6 =	sadd.s32 s21, s4  }
0x9e: {  	[timem:s8], [sflag:s22] =	dma.local [hbm:s6], s20  }
0x9f: {  	_ =	swait.ge [sflag:s22], s20  }
0xa0: {  	s5 =	ssub.s32 $0x0, s20;
	[sflag:s22] =	ssyncset.done $0x0  }
0xa1: {  	[sflag:s22] =	ssyncadd.s32 s5;
	_ =	sdelay $0x1  }
0xa2: {  	s23 =	simm.s32 $0x1B8B  }
0xa3: {  	_ =	swait.ge [sflag:s23], $0x1  }
0xa4: {  	[sflag:s23] =	ssyncset.done $0x0  }
0xa5: {  	s25 =	simm.s32 $0x1B8E;
	s24 =	sld [smem:$0x3FFE];
	[sflag:s23] =	ssyncadd.s32 $0xFFFFFFFF  }
0xa6: {  	s26 =	simm.s32 $execute0_lowered;
	[smem:$0x3FD2] =	sst s25  }
0xa7: {  	s6 =	sshll.u32 s26, $0x1;
	_ =	strace $0x80000046;
	[dreg:$0x1] =	wrdreg $0xFFFFFFFF  }
0xa8: {  	s28 =	simm.s32 $_size_execute0_lowered;
	s4 =	sadd.s32 s4, s6;
	[dreg:$0x0] =	wrdreg $0x0  }
0xa9: {  	s6 =	sshll.u32 s28, $0x1;
	[dreg:$0x2] =	wrdreg s4  }
0xaa: {  	[dreg:$0x3] =	wrdreg s6  }
0xab: {  	[dreg:$0x4] =	wrdreg $0xC0  }
0xac: {  	_ =	task [dreg:s8], $0x5FFFF  }
0xad: {  	[dreg:$0x1] =	wrdreg $0xFFFFFFFF  }
0xae: {  	[dreg:$0x0] =	wrdreg $0x60  }
0xaf: {  	[dreg:$0x2] =	wrdreg s2  }
0xb0: {  	[dreg:$0x3] =	wrdreg s24  }
0xb1: {  	[dreg:$0x4] =	wrdreg s18  }
0xb2: {  	[dreg:$0x5] =	wrdreg $0xA3800  }
0xb3: {  	[dreg:$0x6] =	wrdreg $0x1DC000  }
0xb4: {  	[dreg:$0x7] =	wrdreg $0x9  }
0xb5: {  	_ =	task.clear_ibuf [dreg:s8], $0x8FFFF;
	_ =	strace $0x90000046  }
0xb6: {  	s29 =	simm.s32 $0x9;
	_ =	strace $0x80000048  }
0xb7: {  	_ =	swait.ge [sflag:s29], $0x1  }
0xb8: {  	[sflag:s29] =	ssyncadd.s32 $0xFFFFFFFF  }
0xb9: {  	_ =	strace $0x90000048  }
0xba: {  	_ =	sfence  }
0xbb: {  	s30 =	sld [smem:$0x0];
	_ =	sdelay $0x2  }
0xbc: {  	s31 =	sshll.u32 s1, $0xD;
	s1 =	sshrl.u32 s1, $0x2  }
0xbd: {  	s3 =	sand.u32 $0x4000, s31;
	s1 =	sadd.s32 s1, s30  }
0xbe: {  	s0 =	sor.u32 s3, s0;
	s1 =	sshll.u32 s1, $0x11  }
0xbf: {  	s0 =	sor.u32 s1, s0  }
0xc0: {  	s0 =	sadd.s32 $0x8F2B, s0  }
0xc1: {  	[sflag:s0] =	ssyncadd.remote.s32 $0x1  }
0xc2: {  	_ =	sfence.sel $0xFFFF  }
0xc3: {  	[dreg:$0x0] =	wrdreg $0xFFFFFFFF;
	(pc) =	sbr.abs _section_cstart, $3  }
0xc4: {  	[dreg:$0x1] =	wrdreg $0xFFFFFFFF  }
0xc5: {  	_ =	task.clear_ibuf [dreg:s8], $0x2FFFF;
	_ =	strace $0x9FFFFFFF  }
0xc6: {  	(tm) =	ssettm $0x7FFFFFFF  }
0xc7: {  	_ =	shalt  }
tec
execute0_lowered:
.L_overlay_start_1:
0x0: {  	(tag) =	ssettag $0x1  }
0x1: {  	s1 =	rddreg [dreg:$0x0]  }
0x2: {  	s0 =	rddreg [dreg:$0x1]  }
0x3: {  	s4 =	rddreg [dreg:$0x2]  }
0x4: {  	s3 =	rddreg [dreg:$0x3]  }
0x5: {  	s18 =	rddreg [dreg:$0x4];
	s5 =	simm.s32 $0x0;
	s6 =	srdreg.scid  }
0x6: {  	s19 =	stileid.u32;
	p1 =	por $0x0, $0x0;
	s29 =	simm.s32 $0x180  }
0x7: {  	s30 =	simm.s32 $0x80;
	s31 =	simm.s32 $0x200;
	[smem:$0x7FF] =	sst s5  }
0x8: {  	s2 =	sadd.s32 $0xA400, s0;
	s7 =	sadd.s32 $0x600, s0;
	s8 =	sadd.s32 $0x14200, s0  }
0x9: {  	s6 =	sand.u32 $0x1, s6;
	s12 =	sadd.s32 $0x14E00, s0;
	s11 =	smul.u32 $0x4E000, s19  }
0xa: {  	s17 =	smul.u32 $0x2710, s19;
	p0 =	seq.s32 s19, $0x0;
	p4 =	sne.s32 s19, $0xF  }
0xb: {  	_ =	strace $0x80000047;
	[dreg:$0xc] =	wrdreg s8;
	s15 =	smul.u32 $0x500, s6  }
0xc: {  	s9 =	ssub.s32 $0x2, s6;
	s16 =	sshll.u32 s6, $0x4;
	s13 =	smul.u32 $0x27100, s6  }
0xd: {  	s6 =	smul.u32 $0x138800, s6;
	p3 =	sne.s32 @!p0 s19, $0xF;
	s10 =	sshrl.u32 s9, $0x1  }
0xe: {  	s11 =	sshrl.u32 s11, $0x2;
	p2 =	por p3, p0;
	p3 =	por !p3, p0  }
0xf: {  	s0 =	sadd.s32 s15, s0;
	s8 =	ssub.s32 s9, s10;
	s9 =	smul.u32 $0x13800, s19  }
0x10: {  	s10 =	sor.u32 s19, s16;
	s11 =	sadd.s32 s11, s3;
	s15 =	sshll.u32 s19, $0x6  }
0x11: {  	s13 =	sadd.s32 s17, s13;
	s19 =	simm.s32 $0x2;
	[dreg:$0xd] =	wrdreg s11  }
0x12: {  	s16 =	smul.u32 $0x2710, s10;
	s10 =	sor.u32 $0x1C0D, s15;
	s11 =	sadd.s32 $0x138000, s3  }
0x13: {  	s21 =	sadd.s32 $0x1E0, s13;
	s17 =	sadd.s32 $0x190, s13;
	s13 =	sadd.s32 $0x140, s13  }
0x14: {  	s0 =	sadd.s32 $0x14400, s0;
	s14 =	sshrl.u32 s9, $0x3;
	s15 =	sshrl.u32 s21, $0x3  }
0x15: {  	s24 =	sshrl.u32 s17, $0x3;
	s9 =	sadd.s32 s9, s6;
	s13 =	sshrl.u32 s13, $0x3  }
0x16: {  	s6 =	sshrl.u32 s6, $0x3;
	[dreg:$0x1b] =	wrdreg s0;
	s0 =	simm.s32 $0x7  }
0x17: {  	[dreg:$0xf] =	wrdreg s11;
	s20 =	sadd.s32 s4, s14;
	s14 =	sshrl.u32 s16, $0x3  }
0x18: {  	s23 =	sadd.s32 s15, s7;
	s15 =	sadd.s32 s15, s2;
	[dreg:$0xe] =	wrdreg s20  }
0x19: {  	s26 =	sadd.s32 s24, s7;
	s9 =	sshrl.u32 s9, $0x3;
	[dreg:$0x6] =	wrdreg s23  }
0x1a: {  	s21 =	sadd.s32 s13, s7;
	s6 =	sadd.s32 s12, s6;
	[dreg:$0x7] =	wrdreg s15  }
0x1b: {  	s4 =	sadd.s32 $0x27000, s4;
	s16 =	sadd.s32 s2, s14;
	[dreg:$0x8] =	wrdreg s26  }
0x1c: {  	s22 =	sadd.s32 s7, s14;
	s25 =	sadd.s32 $0xA, s14;
	[dreg:$0xa] =	wrdreg s21  }
0x1d: {  	s9 =	sadd.s32 s12, s9;
	s20 =	sadd.s32 s24, s2;
	[dreg:$0x19] =	wrdreg s4  }
0x1e: {  	s26 =	sadd.s32 $0x27000, s6;
	s6 =	simm.s32 $0x50;
	[dreg:$0x10] =	wrdreg s16  }
0x1f: {  	s12 =	simm.s32 $0x2B00;
	s21 =	simm.s32 $0x6;
	[dreg:$0x11] =	wrdreg s22  }
0x20: {  	s28 =	sadd.s32 s2, s25;
	s17 =	sadd.s32 s7, s25;
	[dreg:$0x14] =	wrdreg s9  }
0x21: {  	[dreg:$0x9] =	wrdreg s20;
	s22 =	sadd.s32 $0x14, s14;
	s25 =	sadd.s32 $0x1E, s14  }
0x22: {  	[dreg:$0x1a] =	wrdreg s26;
	s26 =	simm.s32 $0x7B00;
	s14 =	simm.s32 $0x1  }
0x23: {  	s16 =	simm.s32 $0x5300;
	s20 =	simm.s32 $0xB;
	[dreg:$0x12] =	wrdreg s28  }
0x24: {  	[dreg:$0x13] =	wrdreg s17;
	s23 =	sadd.s32 s2, s22;
	s24 =	sadd.s32 s7, s22  }
0x25: {  	s7 =	sadd.s32 s7, s25;
	s9 =	sadd.s32 s2, s25;
	[dreg:$0x15] =	wrdreg s23  }
0x26: {  	s2 =	sadd.s32 s13, s2;
	s28 =	smax.u32 s8, $0x1;
	[dreg:$0x16] =	wrdreg s24  }
0x27: {  	s25 =	simm.s32 $0xD;
	s17 =	simm.s32 $0xA300;
	[dreg:$0x17] =	wrdreg s7  }
0x28: {  	s8 =	simm.s32 $0x280;
	s13 =	simm.s32 $0x4;
	[dreg:$0x18] =	wrdreg s9  }
0x29: {  	s22 =	simm.s32 $0x3;
	s7 =	smov.u32 s18;
	[dreg:$0x1c] =	wrdreg s28  }
0x2a: {  	[dreg:$0xb] =	wrdreg s2;
	s2 =	simm.s32 $0x300;
	s9 =	simm.s32 $0x8  }
0x2b: {  	s18 =	simm.s32 $0x5;
	s23 =	simm.s32 $0xC;
	s24 =	simm.s32 $0x0  }
.LBB2_1:
0x2c: {  	s4 =	rddreg [dreg:$0xd]  }
0x2d: {  	s15 =	rddreg [dreg:$0xe];
	s28 =	sshrl.u32 s4, $0x3  }
0x2e: {  	[spmem:s28], [sflag:s10] =	dma.local [hbm:s15], $0x2700  }
0x2f: {  	_ =	swait.ge [sflag:s25], $0x2700  }
0x30: {  	[sflag:s25] =	ssyncset.done $0x0  }
0x31: {  	[sflag:s25] =	ssyncadd.s32 $0xFFFFD900  }
0x32: {  	s7 =	sshrl.u32 @p0 s7, $0x3;
	s4 =	rddreg [dreg:$0x2]  }
0x33: {  	[spmem:s7], [sflag:s10] =	dma.local @p0 [hbm:s4], $0x500  }
0x34: {  	s7 =	simm.s32 @p0 $0xD  }
0x35: {  	_ =	swait.ge @p0 [sflag:s7], $0x500  }
0x36: {  	[sflag:s7] =	ssyncset.done @p0 $0x0  }
0x37: {  	[sflag:s7] =	ssyncadd.s32 @p0 $0xFFFFFB00;
	s7 =	sshrl.u32 @!p2 s11, $0x3;
	s11 =	rddreg [dreg:$0x19]  }
0x38: {  	[spmem:s7], [sflag:s10] =	dma.local @!p2 [hbm:s11], $0x100  }
0x39: {  	s7 =	simm.s32 @!p2 $0xD  }
0x3a: {  	_ =	swait.ge @!p2 [sflag:s7], $0x100  }
0x3b: {  	[sflag:s7] =	ssyncset.done @!p2 $0x0  }
0x3c: {  	[sflag:s7] =	ssyncadd.s32 @!p2 $0xFFFFFF00  }
0x3d: {  	[tilespmem:s26], [sflag:$0xD] =	stream.linear.gather [hbm4b:s4+s5], $0x2800, $0x38;
	[tilespmem:$0x1DE80] =	vst v63  }
0x3e: {  	_ =	swait.ge [sflag:s25], $0x2800  }
0x3f: {  	[sflag:s25] =	ssyncset.done $0x0  }
0x40: {  	s15 =	rddreg [dreg:$0xc];
	[sflag:s25] =	ssyncadd.s32 $0xFFFFD800  }
0x41: {  	[tilespmem:s17], [sflag:$0xD] =	stream.linear.gather [hbm4b:s15+s5], $0x80, $0x38;
	[tilespmem:$0x1DE80] =	vst v63  }
0x42: {  	_ =	swait.ge [sflag:s25], $0x80  }
0x43: {  	[sflag:s25] =	ssyncset.done $0x0  }
0x44: {  	[sflag:s25] =	ssyncadd.s32 $0xFFFFFF80  }
0x45: {  	[bflag:$0x0] =	sbarrier.arrive $0xFFFF  }
0x46: {  	s7 =	rddreg [dreg:$0x10]  }
0x47: {  	[tilespmem:s5], [sflag:$0x7] =	stream.linear.gather [hbm4b:s7+s5], $0x50, $0x38;
	[tilespmem:$0x1DE80] =	vst v63  }
0x48: {  	s11 =	rddreg [dreg:$0x11]  }
0x49: {  	[tilespmem:s29], [sflag:$0x4] =	stream.linear.gather [hbm4b:s11+s5], $0x50, $0x38;
	[tilespmem:$0x1DE80] =	vst v63  }
0x4a: {  	s15 =	rddreg [dreg:$0x12]  }
0x4b: {  	[tilespmem:s30], [sflag:$0x8] =	stream.linear.gather [hbm4b:s15+s5], $0x50, $0x38;
	[tilespmem:$0x1DE80] =	vst v63  }
0x4c: {  	s17 =	rddreg [dreg:$0x13]  }
0x4d: {  	[tilespmem:s31], [sflag:$0x5] =	stream.linear.gather [hbm4b:s17+s5], $0x50, $0x38;
	[tilespmem:$0x1DE80] =	vst v63  }
0x4e: {  	_ =	swait.ge [sflag:s0], $0x50  }
0x4f: {  	[sflag:s0] =	ssyncset.done $0x0  }
0x50: {  	[sflag:s0] =	ssyncadd.s32 $0xFFFFFFB0  }
0x51: {  	[tilespmem:s2], [sflag:$0x1] =	stream.indirect.gather [hbm4b:s1+s6], $0x80, s5, s6, $0xb8;
	[tilespmem:$0x1DE80] =	vst v63  }
0x52: {  	s11 =	simm.s32 $0x100;
	s7 =	rddreg [dreg:$0x15]  }
0x53: {  	[tilespmem:s11], [sflag:$0x9] =	stream.linear.gather [hbm4b:s7+s5], $0x50, $0x38;
	[tilespmem:$0x1DE80] =	vst v63  }
0x54: {  	s15 =	rddreg [dreg:$0x16]  }
0x55: {  	[tilespmem:s8], [sflag:$0x6] =	stream.linear.gather [hbm4b:s15+s5], $0x50, $0x38;
	[tilespmem:$0x1DE80] =	vst v63  }
0x56: {  	_ =	swait.ge [sflag:s9], $0x50  }
0x57: {  	[sflag:s9] =	ssyncset.done $0x0  }
0x58: {  	[sflag:s9] =	ssyncadd.s32 $0xFFFFFFB0  }
0x59: {  	[tilespmem:s12], [sflag:$0x2] =	stream.indirect.gather [hbm4b:s1+s6], $0x80, s30, s6, $0xb8;
	[tilespmem:$0x1DE80] =	vst v63  }
0x5a: {  	_ =	swait.ge [sflag:s13], $0x50  }
0x5b: {  	[sflag:s13] =	ssyncset.done $0x0  }
0x5c: {  	[sflag:s13] =	ssyncadd.s32 $0xFFFFFFB0  }
0x5d: {  	_ =	swait.ge [sflag:s14], $0x2800  }
0x5e: {  	[sflag:s14] =	ssyncset.done $0x0  }
0x5f: {  	[sflag:s14] =	ssyncadd.s32 $0xFFFFD800  }
0x60: {  	[spmem:s3] =	stream.indirect.scatter.add.f32 [tilespmem:s2], [sflag:$0xA], $0x80, s29, s6, $0xb8;
	[tilespmem:$0x1DE80] =	vst v63  }
0x61: {  	v0 =	vld [tilespmem:$0x180];
	_ =	sdelay $0x4  }
0x62: {  	(xrf1) =	vunique.msk.u32 $0xffff, v0;
	_ =	sdelay $0xd  }
0x63: {  	_, v1, vm0 =	vpop (xrf1);
	_ =	sdelay $0x3  }
0x64: {  	v1 =	vcvt.s32.f32 v1;
	_ =	sdelay $0x1  }
0x65: {  	[tilespmem:v0+s26+$0x0] =	vst.idx.add.f32.msk vm0, v1  }
0x66: {  	v0 =	vld [tilespmem:$0x190];
	_ =	sdelay $0x4  }
0x67: {  	(xrf1) =	vunique.msk.u32 $0xffff, v0;
	_ =	sdelay $0xd  }
0x68: {  	_, v1, vm0 =	vpop (xrf1);
	_ =	sdelay $0x3  }
0x69: {  	v1 =	vcvt.s32.f32 v1;
	_ =	sdelay $0x1  }
0x6a: {  	[tilespmem:v0+s26+$0x0] =	vst.idx.add.f32.msk vm0, v1  }
0x6b: {  	v0 =	vld [tilespmem:$0x1A0];
	_ =	sdelay $0x4  }
0x6c: {  	(xrf1) =	vunique.msk.u32 $0xffff, v0;
	_ =	sdelay $0xd  }
0x6d: {  	_, v1, vm0 =	vpop (xrf1);
	_ =	sdelay $0x3  }
0x6e: {  	v1 =	vcvt.s32.f32 v1;
	_ =	sdelay $0x1  }
0x6f: {  	[tilespmem:v0+s26+$0x0] =	vst.idx.add.f32.msk vm0, v1  }
0x70: {  	v0 =	vld [tilespmem:$0x1B0];
	_ =	sdelay $0x4  }
0x71: {  	(xrf1) =	vunique.msk.u32 $0xffff, v0;
	_ =	sdelay $0xd  }
0x72: {  	_, v1, vm0 =	vpop (xrf1);
	_ =	sdelay $0x3  }
0x73: {  	v1 =	vcvt.s32.f32 v1;
	_ =	sdelay $0x1  }
0x74: {  	[tilespmem:v0+s26+$0x0] =	vst.idx.add.f32.msk vm0, v1  }
0x75: {  	v0 =	vld [tilespmem:$0x1C0];
	_ =	sdelay $0x4  }
0x76: {  	(xrf1) =	vunique.msk.u32 $0xffff, v0;
	_ =	sdelay $0xd  }
0x77: {  	_, v1, vm0 =	vpop (xrf1);
	_ =	sdelay $0x3  }
0x78: {  	v1 =	vcvt.s32.f32 v1;
	_ =	sdelay $0x1  }
0x79: {  	s17 =	simm.s32 $0x9;
	[tilespmem:v0+s26+$0x0] =	vst.idx.add.f32.msk vm0, v1  }
0x7a: {  	_ =	swait.ge [sflag:s17], $0x50  }
0x7b: {  	[sflag:s17] =	ssyncset.done $0x0  }
0x7c: {  	[sflag:s17] =	ssyncadd.s32 $0xFFFFFFB0  }
0x7d: {  	[tilespmem:s16], [sflag:$0x3] =	stream.indirect.gather [hbm4b:s1+s6], $0x80, s11, s6, $0xb8;
	[tilespmem:$0x1DE80] =	vst v63  }
0x7e: {  	s11 =	simm.s32 $0xA  }
0x7f: {  	_ =	swait.ge [sflag:s11], $0x2800  }
0x80: {  	[sflag:s11] =	ssyncset.done $0x0  }
0x81: {  	s15 =	rddreg [dreg:$0x18];
	[sflag:s11] =	ssyncadd.s32 $0xFFFFD800  }
0x82: {  	[tilespmem:s5], [sflag:$0x7] =	stream.linear.gather [hbm4b:s15+s5], $0x50, $0x38;
	[tilespmem:$0x1DE80] =	vst v63  }
0x83: {  	s17 =	rddreg [dreg:$0x17]  }
0x84: {  	[tilespmem:s29], [sflag:$0x4] =	stream.linear.gather [hbm4b:s17+s5], $0x50, $0x38;
	[tilespmem:$0x1DE80] =	vst v63  }
0x85: {  	_ =	swait.ge [sflag:s18], $0x50  }
0x86: {  	[sflag:s18] =	ssyncset.done $0x0  }
0x87: {  	[sflag:s18] =	ssyncadd.s32 $0xFFFFFFB0  }
0x88: {  	_ =	swait.ge [sflag:s19], $0x2800  }
0x89: {  	[sflag:s19] =	ssyncset.done $0x0  }
0x8a: {  	[sflag:s19] =	ssyncadd.s32 $0xFFFFD800  }
0x8b: {  	[spmem:s3] =	stream.indirect.scatter.add.f32 [tilespmem:s12], [sflag:$0xB], $0x80, s31, s6, $0xb8;
	[tilespmem:$0x1DE80] =	vst v63  }
0x8c: {  	v63 =	vld [tilespmem:$0x200];
	_ =	sdelay $0x4  }
0x8d: {  	(xrf1) =	vunique.msk.u32 $0xffff, v63;
	_ =	sdelay $0xd  }
0x8e: {  	_, v1, vm0 =	vpop (xrf1);
	_ =	sdelay $0x3  }
0x8f: {  	v1 =	vcvt.s32.f32 v1;
	_ =	sdelay $0x1  }
0x90: {  	[tilespmem:v63+s26+$0x0] =	vst.idx.add.f32.msk vm0, v1  }
0x91: {  	v0 =	vld [tilespmem:$0x210];
	_ =	sdelay $0x4  }
0x92: {  	(xrf1) =	vunique.msk.u32 $0xffff, v0;
	_ =	sdelay $0xd  }
0x93: {  	_, v1, vm0 =	vpop (xrf1);
	_ =	sdelay $0x3  }
0x94: {  	v1 =	vcvt.s32.f32 v1;
	_ =	sdelay $0x1  }
0x95: {  	[tilespmem:v0+s26+$0x0] =	vst.idx.add.f32.msk vm0, v1  }
0x96: {  	v0 =	vld [tilespmem:$0x220];
	_ =	sdelay $0x4  }
0x97: {  	(xrf1) =	vunique.msk.u32 $0xffff, v0;
	_ =	sdelay $0xd  }
0x98: {  	_, v1, vm0 =	vpop (xrf1);
	_ =	sdelay $0x3  }
0x99: {  	v1 =	vcvt.s32.f32 v1;
	_ =	sdelay $0x1  }
0x9a: {  	[tilespmem:v0+s26+$0x0] =	vst.idx.add.f32.msk vm0, v1  }
0x9b: {  	v0 =	vld [tilespmem:$0x230];
	_ =	sdelay $0x4  }
0x9c: {  	(xrf1) =	vunique.msk.u32 $0xffff, v0;
	_ =	sdelay $0xd  }
0x9d: {  	_, v1, vm0 =	vpop (xrf1);
	_ =	sdelay $0x3  }
0x9e: {  	v1 =	vcvt.s32.f32 v1;
	_ =	sdelay $0x1  }
0x9f: {  	[tilespmem:v0+s26+$0x0] =	vst.idx.add.f32.msk vm0, v1  }
0xa0: {  	v0 =	vld [tilespmem:$0x240];
	_ =	sdelay $0x4  }
0xa1: {  	(xrf1) =	vunique.msk.u32 $0xffff, v0;
	_ =	sdelay $0xd  }
0xa2: {  	_, v1, vm0 =	vpop (xrf1);
	_ =	sdelay $0x3  }
0xa3: {  	p6 =	por @!p2 $0x0, $0x0;
	v1 =	vcvt.s32.f32 v1  }
0xa4: {  	p5 =	por @p0 $0x1, $0x1;
	p6 =	por @!p3 p1, p1  }
0xa5: {  	p5 =	por @!p0 p6, p6;
	s7 =	simm.s32 $0x0;
	[tilespmem:v0+s26+$0x0] =	vst.idx.add.f32.msk vm0, v1  }
.LBB2_2:
0xa6: {  	_ =	swait.ge [sflag:s0], $0x50  }
0xa7: {  	[sflag:s0] =	ssyncset.done $0x0  }
0xa8: {  	[sflag:s0] =	ssyncadd.s32 $0xFFFFFFB0  }
0xa9: {  	[tilespmem:s2], [sflag:$0x1] =	stream.indirect.gather [hbm4b:s1+s6], $0x80, s5, s6, $0xb8;
	[tilespmem:$0x1DE80] =	vst v63  }
0xaa: {  	_ =	swait.ge [sflag:s20], $0x2800  }
0xab: {  	s4 =	rddreg [dreg:$0xb];
	[sflag:s20] =	ssyncset.done $0x0  }
0xac: {  	s15 =	rddreg [dreg:$0xa];
	[sflag:s20] =	ssyncadd.s32 $0xFFFFD800;
	s4 =	sadd.s32 s7, s4  }
0xad: {  	[tilespmem:s30], [sflag:$0x8] =	stream.linear.gather [hbm4b:s4+s5], $0x50, $0x38;
	[tilespmem:$0x1DE80] =	vst v63  }
0xae: {  	s17 =	sadd.s32 s7, s15  }
0xaf: {  	[tilespmem:s31], [sflag:$0x5] =	stream.linear.gather [hbm4b:s17+s5], $0x50, $0x38;
	[tilespmem:$0x1DE80] =	vst v63  }
0xb0: {  	_ =	swait.ge [sflag:s21], $0x50  }
0xb1: {  	[sflag:s21] =	ssyncset.done $0x0  }
0xb2: {  	[sflag:s21] =	ssyncadd.s32 $0xFFFFFFB0  }
0xb3: {  	_ =	swait.ge [sflag:s22], $0x2800  }
0xb4: {  	[sflag:s22] =	ssyncset.done $0x0  }
0xb5: {  	[sflag:s22] =	ssyncadd.s32 $0xFFFFD800  }
0xb6: {  	[spmem:s3] =	stream.indirect.scatter.add.f32 [tilespmem:s16], [sflag:$0xC], $0x80, s8, s6, $0xb8;
	[tilespmem:$0x1DE80] =	vst v63  }
0xb7: {  	v0 =	vld [tilespmem:$0x280];
	_ =	sdelay $0x4  }
0xb8: {  	(xrf1) =	vunique.msk.u32 $0xffff, v0;
	_ =	sdelay $0xd  }
0xb9: {  	_, v1, vm0 =	vpop (xrf1);
	_ =	sdelay $0x3  }
0xba: {  	v1 =	vcvt.s32.f32 v1;
	_ =	sdelay $0x1  }
0xbb: {  	[tilespmem:v0+s26+$0x0] =	vst.idx.add.f32.msk vm0, v1  }
0xbc: {  	v0 =	vld [tilespmem:$0x290];
	_ =	sdelay $0x4  }
0xbd: {  	(xrf1) =	vunique.msk.u32 $0xffff, v0;
	_ =	sdelay $0xd  }
0xbe: {  	_, v1, vm0 =	vpop (xrf1);
	_ =	sdelay $0x3  }
0xbf: {  	v1 =	vcvt.s32.f32 v1;
	_ =	sdelay $0x1  }
0xc0: {  	[tilespmem:v0+s26+$0x0] =	vst.idx.add.f32.msk vm0, v1  }
0xc1: {  	v0 =	vld [tilespmem:$0x2A0];
	_ =	sdelay $0x4  }
0xc2: {  	(xrf1) =	vunique.msk.u32 $0xffff, v0;
	_ =	sdelay $0xd  }
0xc3: {  	_, v1, vm0 =	vpop (xrf1);
	_ =	sdelay $0x3  }
0xc4: {  	v1 =	vcvt.s32.f32 v1;
	_ =	sdelay $0x1  }
0xc5: {  	[tilespmem:v0+s26+$0x0] =	vst.idx.add.f32.msk vm0, v1  }
0xc6: {  	v0 =	vld [tilespmem:$0x2B0];
	_ =	sdelay $0x4  }
0xc7: {  	(xrf1) =	vunique.msk.u32 $0xffff, v0;
	_ =	sdelay $0xd  }
0xc8: {  	_, v1, vm0 =	vpop (xrf1);
	_ =	sdelay $0x3  }
0xc9: {  	v1 =	vcvt.s32.f32 v1;
	_ =	sdelay $0x1  }
0xca: {  	[tilespmem:v0+s26+$0x0] =	vst.idx.add.f32.msk vm0, v1  }
0xcb: {  	v0 =	vld [tilespmem:$0x2C0];
	_ =	sdelay $0x4  }
0xcc: {  	(xrf1) =	vunique.msk.u32 $0xffff, v0;
	_ =	sdelay $0xd  }
0xcd: {  	_, v1, vm0 =	vpop (xrf1);
	_ =	sdelay $0x3  }
0xce: {  	v1 =	vcvt.s32.f32 v1;
	_ =	sdelay $0x1  }
0xcf: {  	[tilespmem:v0+s26+$0x0] =	vst.idx.add.f32.msk vm0, v1  }
0xd0: {  	_ =	swait.ge [sflag:s9], $0x50  }
0xd1: {  	[sflag:s9] =	ssyncset.done $0x0  }
0xd2: {  	p6 =	seq.s32 s7, $0x4B0;
	[sflag:s9] =	ssyncadd.s32 $0xFFFFFFB0  }
0xd3: {  	[tilespmem:s12], [sflag:$0x2] =	stream.indirect.gather [hbm4b:s1+s6], $0x80, s30, s6, $0xb8;
	[tilespmem:$0x1DE80] =	vst v63  }
0xd4: {  	s11 =	simm.s32 @!p6 $0x100;
	_ =	swait.ge [sflag:s23], $0x2800  }
0xd5: {  	s17 =	simm.s32 @!p6 $0x0;
	s4 =	rddreg [dreg:$0x9];
	[sflag:s23] =	ssyncset.done $0x0  }
0xd6: {  	s15 =	rddreg [dreg:$0x8];
	[sflag:s23] =	ssyncadd.s32 $0xFFFFD800;
	s4 =	sadd.s32 @!p6 s7, s4  }
0xd7: {  	[tilespmem:s11], [sflag:$0x9] =	stream.linear.gather @!p6 [hbm4b:s4+s17], $0x50, $0x38;
	[tilespmem:$0x1DE80] =	vst v63  }
0xd8: {  	s4 =	sadd.s32 @!p6 s7, s15;
	s11 =	simm.s32 @!p6 $0x280  }
0xd9: {  	[tilespmem:s11], [sflag:$0x6] =	stream.linear.gather @!p6 [hbm4b:s4+s17], $0x50, $0x38;
	[tilespmem:$0x1DE80] =	vst v63  }
0xda: {  	_ =	swait.ge [sflag:s13], $0x50  }
0xdb: {  	[sflag:s13] =	ssyncset.done $0x0  }
0xdc: {  	[sflag:s13] =	ssyncadd.s32 $0xFFFFFFB0  }
0xdd: {  	_ =	swait.ge [sflag:s14], $0x2800  }
0xde: {  	[sflag:s14] =	ssyncset.done $0x0  }
0xdf: {  	[sflag:s14] =	ssyncadd.s32 $0xFFFFD800  }
0xe0: {  	[spmem:s3] =	stream.indirect.scatter.add.f32 [tilespmem:s2], [sflag:$0xA], $0x80, s29, s6, $0xb8;
	[tilespmem:$0x1DE80] =	vst v63  }
0xe1: {  	v62 =	vld [tilespmem:$0x180];
	_ =	sdelay $0x4  }
0xe2: {  	(xrf1) =	vunique.msk.u32 $0xffff, v62;
	_ =	sdelay $0xd  }
0xe3: {  	_, v1, vm0 =	vpop (xrf1);
	_ =	sdelay $0x3  }
0xe4: {  	v1 =	vcvt.s32.f32 v1;
	_ =	sdelay $0x1  }
0xe5: {  	[tilespmem:v62+s26+$0x0] =	vst.idx.add.f32.msk vm0, v1  }
0xe6: {  	v0 =	vld [tilespmem:$0x190];
	_ =	sdelay $0x4  }
0xe7: {  	(xrf1) =	vunique.msk.u32 $0xffff, v0;
	_ =	sdelay $0xd  }
0xe8: {  	_, v1, vm0 =	vpop (xrf1);
	_ =	sdelay $0x3  }
0xe9: {  	v1 =	vcvt.s32.f32 v1;
	_ =	sdelay $0x1  }
0xea: {  	[tilespmem:v0+s26+$0x0] =	vst.idx.add.f32.msk vm0, v1  }
0xeb: {  	v0 =	vld [tilespmem:$0x1A0];
	_ =	sdelay $0x4  }
0xec: {  	(xrf1) =	vunique.msk.u32 $0xffff, v0;
	_ =	sdelay $0xd  }
0xed: {  	_, v1, vm0 =	vpop (xrf1);
	_ =	sdelay $0x3  }
0xee: {  	v1 =	vcvt.s32.f32 v1;
	_ =	sdelay $0x1  }
0xef: {  	[tilespmem:v0+s26+$0x0] =	vst.idx.add.f32.msk vm0, v1  }
0xf0: {  	v0 =	vld [tilespmem:$0x1B0];
	_ =	sdelay $0x4  }
0xf1: {  	(xrf1) =	vunique.msk.u32 $0xffff, v0;
	_ =	sdelay $0xd  }
0xf2: {  	_, v1, vm0 =	vpop (xrf1);
	_ =	sdelay $0x3  }
0xf3: {  	v1 =	vcvt.s32.f32 v1;
	_ =	sdelay $0x1  }
0xf4: {  	[tilespmem:v0+s26+$0x0] =	vst.idx.add.f32.msk vm0, v1  }
0xf5: {  	v0 =	vld [tilespmem:$0x1C0];
	_ =	sdelay $0x4  }
0xf6: {  	(xrf1) =	vunique.msk.u32 $0xffff, v0;
	_ =	sdelay $0xd  }
0xf7: {  	_, v1, vm0 =	vpop (xrf1);
	_ =	sdelay $0x3  }
0xf8: {  	v1 =	vcvt.s32.f32 v1  }
0xf9: {  	p6 =	sne.s32 s7, $0x4B0  }
0xfa: {  	s4 =	simm.s32 @p6 $0x9;
	[tilespmem:v0+s26+$0x0] =	vst.idx.add.f32.msk vm0, v1  }
0xfb: {  	_ =	swait.ge @p6 [sflag:s4], $0x50  }
0xfc: {  	s11 =	simm.s32 @p6 $0x100;
	[sflag:s4] =	ssyncset.done @p6 $0x0  }
0xfd: {  	s15 =	simm.s32 @p6 $0x5300;
	[sflag:s4] =	ssyncadd.s32 @p6 $0xFFFFFFB0;
	s4 =	simm.s32 @p6 $0x50  }
0xfe: {  	[tilespmem:s15], [sflag:$0x3] =	stream.indirect.gather @p6 [hbm4b:s1+s4], $0x80, s11, s4, $0xb8;
	[tilespmem:$0x1DE80] =	vst v63  }
0xff: {  	s4 =	simm.s32 @p6 $0xA  }
0x100: {  	_ =	swait.ge @p6 [sflag:s4], $0x2800  }
0x101: {  	s11 =	rddreg [dreg:$0x7]  }
0x102: {  	[sflag:s4] =	ssyncset.done @p6 $0x0;
	s15 =	rddreg [dreg:$0x6]  }
0x103: {  	[sflag:s4] =	ssyncadd.s32 @p6 $0xFFFFD800;
	s4 =	sadd.s32 @p6 s7, s11;
	s11 =	simm.s32 @p6 $0x0  }
0x104: {  	[tilespmem:s11], [sflag:$0x7] =	stream.linear.gather @p6 [hbm4b:s4+s11], $0x50, $0x38;
	[tilespmem:$0x1DE80] =	vst v63  }
0x105: {  	s4 =	sadd.s32 @p6 s7, s15;
	s15 =	simm.s32 @p6 $0x180  }
0x106: {  	[tilespmem:s15], [sflag:$0x4] =	stream.linear.gather @p6 [hbm4b:s4+s11], $0x50, $0x38;
	[tilespmem:$0x1DE80] =	vst v63  }
0x107: {  	s4 =	simm.s32 @!p6 $0xA  }
0x108: {  	_ =	swait.ge @!p6 [sflag:s4], $0x2800  }
0x109: {  	[sflag:s4] =	ssyncset.done @!p6 $0x0  }
0x10a: {  	[sflag:s4] =	ssyncadd.s32 @!p6 $0xFFFFD800  }
0x10b: {  	_ =	swait.ge [sflag:s18], $0x50  }
0x10c: {  	[sflag:s18] =	ssyncset.done $0x0  }
0x10d: {  	[sflag:s18] =	ssyncadd.s32 $0xFFFFFFB0  }
0x10e: {  	_ =	swait.ge [sflag:s19], $0x2800  }
0x10f: {  	[sflag:s19] =	ssyncset.done $0x0  }
0x110: {  	[sflag:s19] =	ssyncadd.s32 $0xFFFFD800  }
0x111: {  	[spmem:s3] =	stream.indirect.scatter.add.f32 [tilespmem:s12], [sflag:$0xB], $0x80, s31, s6, $0xb8;
	[tilespmem:$0x1DE80] =	vst v63  }
0x112: {  	v63 =	vld [tilespmem:$0x200];
	_ =	sdelay $0x4  }
0x113: {  	(xrf1) =	vunique.msk.u32 $0xffff, v63;
	_ =	sdelay $0xd  }
0x114: {  	_, v1, vm0 =	vpop (xrf1);
	_ =	sdelay $0x3  }
0x115: {  	v1 =	vcvt.s32.f32 v1;
	_ =	sdelay $0x1  }
0x116: {  	[tilespmem:v63+s26+$0x0] =	vst.idx.add.f32.msk vm0, v1  }
0x117: {  	v0 =	vld [tilespmem:$0x210];
	_ =	sdelay $0x4  }
0x118: {  	(xrf1) =	vunique.msk.u32 $0xffff, v0;
	_ =	sdelay $0xd  }
0x119: {  	_, v1, vm0 =	vpop (xrf1);
	_ =	sdelay $0x3  }
0x11a: {  	v1 =	vcvt.s32.f32 v1;
	_ =	sdelay $0x1  }
0x11b: {  	[tilespmem:v0+s26+$0x0] =	vst.idx.add.f32.msk vm0, v1  }
0x11c: {  	v0 =	vld [tilespmem:$0x220];
	_ =	sdelay $0x4  }
0x11d: {  	(xrf1) =	vunique.msk.u32 $0xffff, v0;
	_ =	sdelay $0xd  }
0x11e: {  	_, v1, vm0 =	vpop (xrf1);
	_ =	sdelay $0x3  }
0x11f: {  	v1 =	vcvt.s32.f32 v1;
	_ =	sdelay $0x1  }
0x120: {  	[tilespmem:v0+s26+$0x0] =	vst.idx.add.f32.msk vm0, v1  }
0x121: {  	v0 =	vld [tilespmem:$0x230];
	_ =	sdelay $0x4  }
0x122: {  	(xrf1) =	vunique.msk.u32 $0xffff, v0;
	_ =	sdelay $0xd  }
0x123: {  	_, v1, vm0 =	vpop (xrf1);
	_ =	sdelay $0x3  }
0x124: {  	v1 =	vcvt.s32.f32 v1;
	_ =	sdelay $0x1  }
0x125: {  	[tilespmem:v0+s26+$0x0] =	vst.idx.add.f32.msk vm0, v1  }
0x126: {  	v0 =	vld [tilespmem:$0x240];
	_ =	sdelay $0x4  }
0x127: {  	(xrf1) =	vunique.msk.u32 $0xffff, v0;
	_ =	sdelay $0xd  }
0x128: {  	s7 =	sadd.s32 $0x1E, s7;
	_, v1, vm0 =	vpop (xrf1)  }
0x129: {  	p6 =	sne.s32 s7, $0x4CE  }
.Ltmp0:
0x12a: {  	_ = 	snop;
	(pc) =	sbr.rel @p6 .LBB2_2-.Ltmp0, $3  }
0x12b: {  	_ = 	snop  }
0x12c: {  	v1 =	vcvt.s32.f32 v1;
	_ =	sdelay $0x1  }
0x12d: {  	[tilespmem:v0+s26+$0x0] =	vst.idx.add.f32.msk vm0, v1  }
0x12e: {  	_ =	swait.ge [sflag:s20], $0x2800  }
0x12f: {  	[sflag:s20] =	ssyncset.done $0x0  }
0x130: {  	[sflag:s20] =	ssyncadd.s32 $0xFFFFD800  }
0x131: {  	s17 =	simm.s32 $0xA300;
	s7 =	rddreg [dreg:$0x4]  }
0x132: {  	[spmem:s7] =	stream.indirect.scatter.add.f32 [tilespmem:s26], [sflag:$0xD], $0x80, s17, s6, $0xb8;
	[tilespmem:$0x1DE80] =	vst v63  }
0x133: {  	_ =	swait.ge [sflag:s25], $0x2800  }
0x134: {  	[sflag:s25] =	ssyncset.done $0x0  }
0x135: {  	[sflag:s25] =	ssyncadd.s32 $0xFFFFD800  }
0x136: {  	[bflag:$0x0] =	sbarrier.arrive $0xFFFF  }
0x137: {  	s4 =	rddreg [dreg:$0x14]  }
0x138: {  	[hbm:s4], [sflag:s10] =	dma.local [spmem:s28], $0x2700  }
0x139: {  	_ =	swait.ge [sflag:s25], $0x2700  }
0x13a: {  	[sflag:s25] =	ssyncset.done $0x0;
	s11 =	rddreg [dreg:$0xf]  }
0x13b: {  	s15 =	rddreg [dreg:$0x1a];
	[sflag:s25] =	ssyncadd.s32 $0xFFFFD900;
	s4 =	sshrl.u32 @!p4 s11, $0x3  }
0x13c: {  	[hbm:s15], [sflag:s10] =	dma.local @!p4 [spmem:s4], $0x100  }
0x13d: {  	s4 =	simm.s32 @!p4 $0xD  }
0x13e: {  	_ =	swait.ge @!p4 [sflag:s4], $0x100  }
0x13f: {  	[sflag:s4] =	ssyncset.done @!p4 $0x0  }
0x140: {  	s15 =	rddreg [dreg:$0x1b];
	[sflag:s4] =	ssyncadd.s32 @!p4 $0xFFFFFF00;
	s4 =	sshrl.u32 @p5 s7, $0x3  }
0x141: {  	[hbm:s15], [sflag:s10] =	dma.local @p5 [spmem:s4], $0x500  }
0x142: {  	s4 =	simm.s32 @p5 $0xD  }
0x143: {  	_ =	swait.ge @p5 [sflag:s4], $0x500  }
0x144: {  	s24 =	sadd.s32 $0x1, s24;
	s28 =	rddreg [dreg:$0x1c]  }
0x145: {  	p6 =	sne.s32 s24, s28  }
.Ltmp1:
0x146: {  	_ = 	snop;
	(pc) =	sbr.rel @p6 .LBB2_1-.Ltmp1, $3  }
0x147: {  	_ =	sdelay $0x1  }
0x148: {  	[sflag:s4] =	ssyncset.done @p5 $0x0  }
0x149: {  	[sflag:s4] =	ssyncadd.s32 @p5 $0xFFFFFB00  }
0x14a: {  	_ =	sfence.sel $0x180000  }
0x14b: {  	[bflag:$0x0] =	sbarrier.arrive $0xFFFF  }
0x14c: {  	_ =	strace $0x90000047  }
0x14d: {  	s0 =	stileid.u32;
	[bflag:$0x2] =	sbarrier.arrive $0xFFFF  }
0x14e: {  	p0 =	sne.s32 s0, $0x0;
	s0 =	rddreg [dreg:$0x5]  }
0x14f: {  	s0 =	sadd.s32 @!p0 $0x100000, s0  }
0x150: {  	[sflag:s0] =	ssyncadd.tile.s32 @!p0 $0x1;
	_ =	shalt  }
.Lfunc_end2:
_tile_overlayer_lowered:
.L_overlay_start_2:
0x151: {  	(tag) =	ssettag $0x2  }
0x152: {  	s0 =	rddreg [dreg:$0x0];
	s2 =	stileid.u32  }
0x153: {  	s1 =	rddreg [dreg:$0x1];
	p0 =	sne.s32 s2, $0x0  }
0x154: {  	s3 =	rddreg [dreg:$0x2];
	[bflag:$0x3] =	sbarrier.arrive $0xFFFF;
	s2 =	simm.s32 @!p0 $0x1C0D  }
0x155: {  	[timem:s3], [sflag:s2] =	dma.local @!p0 [hbm:s0], s1  }
0x156: {  	s0 =	simm.s32 @!p0 $0xD  }
0x157: {  	_ =	swait.ge @!p0 [sflag:s0], s1  }
0x158: {  	s1 =	ssub.s32 @!p0 $0x0, s1;
	[sflag:s0] =	ssyncset.done @!p0 $0x0  }
0x159: {  	[sflag:s0] =	ssyncadd.s32 @!p0 s1  }
0x15a: {  	[bflag:$0x3] =	sbarrier.arrive $0xFFFF  }
0x15b: {  	_ =	shalt  }

</sc_bundles>
